<compile_context>
chip_gen: v7x
topology: tpu7x:2x2x1
jax: 0.10.2.dev20260603
libtpu: 0.0.44.dev20260713+nightly
codegen_flags: <defaults>
</compile_context>

<pallas_src>
import jax
import jax.numpy as jnp
from jax import lax
from jax.experimental import pallas as pl
from jax.experimental.pallas import tpu as pltpu
from jax.experimental.pallas import tpu_sc as plsc

V = 1000000
K = 3
B = 4096
L = 200
N = B * L
NW = 32
CB = 1024
W = 128
JROWS = CB // W
NCHUNK = N // CB
CPW = NCHUNK // NW
GROUPS = CB // 16


def _sc_body(idx_hbm, tab_hbm, ph_hbm, out_hbm, idx_v, st, ob, ph_v, sem):
    wid = lax.axis_index("s") * 2 + lax.axis_index("c")
    pltpu.sync_copy(ph_hbm, ph_v)
    lanes = lax.iota(jnp.int32, 16)

    def chunk_body(g, _):
        cid = wid * CPW + g
        lpos = cid // 4
        b0 = (cid % 4) * CB
        pltpu.sync_copy(idx_hbm.at[pl.ds(cid * JROWS, JROWS)], idx_v)
        handles = [
            pltpu.async_copy(tab_hbm.at[idx_v.at[j]],
                             st.at[pl.ds(j * W, W), :], sem)
            for j in range(JROWS)
        ]
        for h in handles:
            h.wait()

        phv = ph_v[lpos, :]

        def compact(k, _):
            bvec = lanes + k * 16
            for c in range(3 * K):
                v = plsc.load_gather(st, [bvec, lanes * 0 + c])
                if c < K:
                    v = v + phv
                ob[c, pl.ds(k * 16, 16)] = v
            return 0

        lax.fori_loop(0, GROUPS, compact, 0)

        outs = [
            pltpu.async_copy(ob.at[c],
                             out_hbm.at[c, lpos, pl.ds(b0, CB)], sem)
            for c in range(3 * K)
        ]
        for h in outs:
            h.wait()
        return 0

    lax.fori_loop(0, CPW, chunk_body, 0)


@jax.jit
def _harmonic_embed(idx2d, tab16, ph_tab):
    mesh = plsc.VectorSubcoreMesh(core_axis_name="c", subcore_axis_name="s")
    run = pl.kernel(
        _sc_body,
        out_type=jax.ShapeDtypeStruct((3 * K, L, B), jnp.float32),
        mesh=mesh,
        compiler_params=pltpu.CompilerParams(needs_layout_passes=False,
                                             use_tc_tiling_on_sc=False),
        scratch_types=[
            pltpu.VMEM((JROWS, W), jnp.int32),
            pltpu.VMEM((CB, 16), jnp.float32),
            pltpu.VMEM((3 * K, CB), jnp.float32),
            pltpu.VMEM((L, 16), jnp.float32),
            pltpu.SemaphoreType.DMA,
        ],
    )
    return run(idx2d, tab16, ph_tab)


def kernel(indices, frequencies, amplitudes, decays, position_freq):
    idx2d = indices.T.reshape(N // W, W).astype(jnp.int32)
    tab16 = jnp.concatenate(
        [frequencies, amplitudes, decays,
         jnp.zeros((V, 16 - 3 * K), jnp.float32)], axis=1)
    ph_tab = jnp.broadcast_to(
        (jnp.arange(L, dtype=jnp.float32)
         * position_freq.astype(jnp.float32))[:, None], (L, 16))
    out = _harmonic_embed(idx2d, tab16, ph_tab)
    return out.transpose(2, 1, 0)

# --- scband reference (transcript-rebuilt; emitter-appended) ---
"""Pipeline reference for scband-harmonic-wave-embedding-4440996184319 (READ-ONLY COPY).

The authoritative reference and input builder live on the scoring server;
editing this copy changes nothing except your own understanding.
"""

import jax, jax.numpy as jnp
import numpy as np

V = 1000000
K = 3
B = 4096
L = 200

def setup_inputs(seed: int = 0) -> dict:
    key = jax.random.key(seed)
    k1, k2, k3, k4 = jax.random.split(key, 4)
    indices = jax.random.randint(k1, (B, L), 0, V)
    frequencies = jax.random.normal(k2, (V, K), dtype=jnp.float32) * 3.0
    amplitudes = 1.0 + jax.random.normal(k3, (V, K), dtype=jnp.float32) * 0.1
    decays = 1.5 + jax.random.normal(k4, (V, K), dtype=jnp.float32) * 0.1
    position_freq = jnp.asarray(0.1, dtype=jnp.float32)
    return {"indices": indices, "frequencies": frequencies, "amplitudes": amplitudes, "decays": decays, "position_freq": position_freq}

def reference(indices, frequencies, amplitudes, decays, position_freq):
    # Gather per-token wave parameters (embedding lookup)
    f = jnp.take(frequencies, indices, axis=0)  # [B, L, K]
    a = jnp.take(amplitudes, indices, axis=0)   # [B, L, K]
    d = jnp.take(decays, indices, axis=0)       # [B, L, K]
    # Position-dependent phase shift applied to frequencies so order matters
    seq_len = indices.shape[1]
    pos = jnp.arange(seq_len, dtype=f.dtype)
    phase = pos * position_freq               # [L]
    f = f + phase[None, :, None]
    # Concatenate wave parameters into embed_dim = 3 * num_waves
    out = jnp.concatenate([f, a, d], axis=-1)  # [B, L, 3K]
    return out

if __name__ == "__main__":
    import jax
    _d = setup_inputs()
    print(jax.jit(kernel)(*tuple(_d.values())))

</pallas_src>

<mosaic_0001>
#map = affine_map<(d0, d1) -> (0, 0)>
#map1 = affine_map<(d0, d1) -> (0, 0, 0)>
module attributes {stable_mosaic.version = 14 : i64} {
  func.func @_sc_body(%arg0: i32, %arg1: i32, %arg2: memref<6400x128xi32, #tpu.memory_space<hbm>>, %arg3: memref<1000000x16xf32, #tpu.memory_space<hbm>>, %arg4: memref<200x16xf32, #tpu.memory_space<hbm>>, %arg5: memref<9x200x4096xf32, #tpu.memory_space<hbm>>, %arg6: memref<8x128xi32, #tpu.memory_space<vmem>>, %arg7: memref<1024x16xf32, #tpu.memory_space<vmem>>, %arg8: memref<9x1024xf32, #tpu.memory_space<vmem>>, %arg9: memref<200x16xf32, #tpu.memory_space<vmem>>, %arg10: memref<!tpu.dma_semaphore, #tpu.memory_space<semaphore_mem>>) attributes {dimension_semantics = [#tpu.dimension_semantics<core_parallel>, #tpu.dimension_semantics<subcore_parallel>], iteration_bounds = array<i64: 2, 16>, scalar_prefetch = 0 : i64, scratch_operands = 5 : i64, tpu.core_type = #tpu.core_type<sc_vector_subcore>, window_params = [{transform_indices = #map}, {transform_indices = #map}, {transform_indices = #map}, {transform_indices = #map1}]} {
    %mul3A = arith.constant 2 : i32
    %mul3A_0 = arith.muli %arg1, %mul3A : i32
    %add3A = arith.addi %mul3A_0, %arg0 : i32
    "tpu.region"() ({
      %run_scoped3A = tpu.sem_alloc : memref<!tpu.dma_semaphore, #tpu.memory_space<semaphore_mem>>
      tpu.enqueue_dma source(%arg4 : memref<200x16xf32, #tpu.memory_space<hbm>>) target(%arg9 : memref<200x16xf32, #tpu.memory_space<vmem>>) target_semaphore(%run_scoped3A : memref<!tpu.dma_semaphore, #tpu.memory_space<semaphore_mem>>)
      tpu.wait_dma2 semaphore(%run_scoped3A : memref<!tpu.dma_semaphore, #tpu.memory_space<semaphore_mem>>) src(%arg4 : memref<200x16xf32, #tpu.memory_space<hbm>>) dst(%arg9 : memref<200x16xf32, #tpu.memory_space<vmem>>)
      tpu.yield
    }) : () -> ()
    %iota3A = tpu.iota {dimensions = array<i32: 0>} : vector<16xi32>
    %scan3A = arith.constant 0 : i32
    %scan3A_1 = arith.constant 0 : i32
    %scan3A_2 = arith.constant 25 : i32
    %scan3A_3 = arith.addi %scan3A_1, %scan3A_2 : i32
    %scan3A_4 = arith.constant 1 : i32
    %scan3A_5 = scf.for %scan3A_7 = %scan3A_1 to %scan3A_3 step %scan3A_4 iter_args(%scan3A_8 = %scan3A) -> (i32)  : i32 {
      %mul3A_9 = arith.constant 25 : i32
      %mul3A_10 = arith.muli %add3A, %mul3A_9 : i32
      %add3A_11 = arith.addi %mul3A_10, %scan3A_7 : i32
      %jit3A = arith.constant 4 : i32
      %div3A = arith.divsi %add3A_11, %jit3A : i32
      %sign3A = arith.constant 0 : i32
      %sign3A_12 = arith.cmpi sgt, %add3A_11, %sign3A : i32
      %sign3A_13 = arith.extui %sign3A_12 : i1 to i32
      %sign3A_14 = arith.constant 0 : i32
      %sign3A_15 = arith.cmpi slt, %add3A_11, %sign3A_14 : i32
      %sign3A_16 = arith.extui %sign3A_15 : i1 to i32
      %sign3A_17 = arith.subi %sign3A_13, %sign3A_16 : i32
      %sign3A_18 = arith.constant 0 : i32
      %sign3A_19 = arith.cmpi sgt, %jit3A, %sign3A_18 : i32
      %sign3A_20 = arith.extui %sign3A_19 : i1 to i32
      %sign3A_21 = arith.constant 0 : i32
      %sign3A_22 = arith.cmpi slt, %jit3A, %sign3A_21 : i32
      %sign3A_23 = arith.extui %sign3A_22 : i1 to i32
      %sign3A_24 = arith.subi %sign3A_20, %sign3A_23 : i32
      %ne3A = arith.cmpi ne, %sign3A_17, %sign3A_24 : i32
      %rem3A = arith.remsi %add3A_11, %jit3A : i32
      %ne3A_25 = arith.constant 0 : i32
      %ne3A_26 = arith.cmpi ne, %rem3A, %ne3A_25 : i32
      %and3A = arith.andi %ne3A, %ne3A_26 : i1
      %sub3A = arith.constant 1 : i32
      %sub3A_27 = arith.subi %div3A, %sub3A : i32
      %select_n3A = arith.select %and3A, %sub3A_27, %div3A : i32
      %jit3A_28 = arith.constant 4 : i32
      %eq3A = arith.constant 0 : i32
      %eq3A_29 = arith.cmpi eq, %jit3A_28, %eq3A : i32
      %jit3A_30 = arith.constant 1 : i32
      %select_n3A_31 = arith.select %eq3A_29, %jit3A_30, %jit3A_28 : i32
      %rem3A_32 = arith.remsi %add3A_11, %select_n3A_31 : i32
      %ne3A_33 = arith.constant 0 : i32
      %ne3A_34 = arith.cmpi ne, %rem3A_32, %ne3A_33 : i32
      %lt3A = arith.constant 0 : i32
      %lt3A_35 = arith.cmpi slt, %rem3A_32, %lt3A : i32
      %lt3A_36 = arith.constant 0 : i32
      %lt3A_37 = arith.cmpi slt, %select_n3A_31, %lt3A_36 : i32
      %ne3A_38 = arith.xori %lt3A_35, %lt3A_37 : i1
      %and3A_39 = arith.andi %ne3A_38, %ne3A_34 : i1
      %add3A_40 = arith.addi %rem3A_32, %select_n3A_31 : i32
      %select_n3A_41 = arith.select %and3A_39, %add3A_40, %rem3A_32 : i32
      %mul3A_42 = arith.constant 1024 : i32
      %mul3A_43 = arith.muli %select_n3A_41, %mul3A_42 : i32
      %mul3A_44 = arith.constant 8 : i32
      %mul3A_45 = arith.muli %add3A_11, %mul3A_44 : i32
      "tpu.region"() ({
        %run_scoped3A = tpu.sem_alloc : memref<!tpu.dma_semaphore, #tpu.memory_space<semaphore_mem>>
        %dma_start3A_430 = arith.constant 0 : i32
        %dma_start3A_431 = tpu.memref_slice %arg2[%mul3A_45, %dma_start3A_430] : memref<6400x128xi32, #tpu.memory_space<hbm>> -> memref<8x128xi32, #tpu.memory_space<hbm>>
        %dma_start3A_432 = arith.constant 0 : i32
        %dma_start3A_433 = tpu.memref_slice %arg2[%mul3A_45, %dma_start3A_432] : memref<6400x128xi32, #tpu.memory_space<hbm>> -> memref<8x128xi32, #tpu.memory_space<hbm>>
        tpu.enqueue_dma source(%dma_start3A_433 : memref<8x128xi32, #tpu.memory_space<hbm>>) target(%arg6 : memref<8x128xi32, #tpu.memory_space<vmem>>) target_semaphore(%run_scoped3A : memref<!tpu.dma_semaphore, #tpu.memory_space<semaphore_mem>>)
        %dma_wait3A_434 = arith.constant 0 : i32
        %dma_wait3A_435 = tpu.memref_slice %arg2[%mul3A_45, %dma_wait3A_434] : memref<6400x128xi32, #tpu.memory_space<hbm>> -> memref<8x128xi32, #tpu.memory_space<hbm>>
        %dma_wait3A_436 = arith.constant 0 : i32
        %dma_wait3A_437 = tpu.memref_slice %arg2[%mul3A_45, %dma_wait3A_436] : memref<6400x128xi32, #tpu.memory_space<hbm>> -> memref<8x128xi32, #tpu.memory_space<hbm>>
        tpu.wait_dma2 semaphore(%run_scoped3A : memref<!tpu.dma_semaphore, #tpu.memory_space<semaphore_mem>>) src(%dma_wait3A_437 : memref<8x128xi32, #tpu.memory_space<hbm>>) dst(%arg6 : memref<8x128xi32, #tpu.memory_space<vmem>>)
        tpu.yield
      }) : () -> ()
      %dma_start3A = arith.constant 0 : i32
      %dma_start3A_46 = arith.constant 0 : i32
      %dma_start3A_47 = arith.constant 0 : i32
      %dma_start3A_48 = tpu.memref_slice %arg7[%dma_start3A_46, %dma_start3A_47] : memref<1024x16xf32, #tpu.memory_space<vmem>> -> memref<128x16xf32, #tpu.memory_space<vmem>>
      %dma_start3A_49 = arith.constant 0 : i32
      %dma_start3A_50 = tpu.memref_slice %arg6[%dma_start3A, %dma_start3A_49] : memref<8x128xi32, #tpu.memory_space<vmem>> -> memref<1x128xi32, #tpu.memory_space<vmem>>
      %dma_start3A_51 = tpu.memref_squeeze %dma_start3A_50 : memref<1x128xi32, #tpu.memory_space<vmem>> -> memref<128xi32, #tpu.memory_space<vmem>>
      %dma_start3A_52 = arith.constant 0 : i32
      %dma_start3A_53 = arith.constant 0 : i32
      %dma_start3A_54 = tpu.memref_slice %arg3[%dma_start3A_52, %dma_start3A_53] : memref<1000000x16xf32, #tpu.memory_space<hbm>> -> memref<1000000x16xf32, #tpu.memory_space<hbm>>
      tpu.enqueue_indirect_dma source(%dma_start3A_54 : memref<1000000x16xf32, #tpu.memory_space<hbm>>) target(%dma_start3A_48 : memref<128x16xf32, #tpu.memory_space<vmem>>) offsets(%dma_start3A_51 : memref<128xi32, #tpu.memory_space<vmem>>) semaphore(%arg10 : memref<!tpu.dma_semaphore, #tpu.memory_space<semaphore_mem>>)
      %dma_start3A_55 = arith.constant 1 : i32
      %dma_start3A_56 = arith.constant 128 : i32
      %dma_start3A_57 = arith.constant 0 : i32
      %dma_start3A_58 = tpu.memref_slice %arg7[%dma_start3A_56, %dma_start3A_57] : memref<1024x16xf32, #tpu.memory_space<vmem>> -> memref<128x16xf32, #tpu.memory_space<vmem>>
      %dma_start3A_59 = arith.constant 0 : i32
      %dma_start3A_60 = tpu.memref_slice %arg6[%dma_start3A_55, %dma_start3A_59] : memref<8x128xi32, #tpu.memory_space<vmem>> -> memref<1x128xi32, #tpu.memory_space<vmem>>
      %dma_start3A_61 = tpu.memref_squeeze %dma_start3A_60 : memref<1x128xi32, #tpu.memory_space<vmem>> -> memref<128xi32, #tpu.memory_space<vmem>>
      %dma_start3A_62 = arith.constant 0 : i32
      %dma_start3A_63 = arith.constant 0 : i32
      %dma_start3A_64 = tpu.memref_slice %arg3[%dma_start3A_62, %dma_start3A_63] : memref<1000000x16xf32, #tpu.memory_space<hbm>> -> memref<1000000x16xf32, #tpu.memory_space<hbm>>
      tpu.enqueue_indirect_dma source(%dma_start3A_64 : memref<1000000x16xf32, #tpu.memory_space<hbm>>) target(%dma_start3A_58 : memref<128x16xf32, #tpu.memory_space<vmem>>) offsets(%dma_start3A_61 : memref<128xi32, #tpu.memory_space<vmem>>) semaphore(%arg10 : memref<!tpu.dma_semaphore, #tpu.memory_space<semaphore_mem>>)
      %dma_start3A_65 = arith.constant 2 : i32
      %dma_start3A_66 = arith.constant 256 : i32
      %dma_start3A_67 = arith.constant 0 : i32
      %dma_start3A_68 = tpu.memref_slice %arg7[%dma_start3A_66, %dma_start3A_67] : memref<1024x16xf32, #tpu.memory_space<vmem>> -> memref<128x16xf32, #tpu.memory_space<vmem>>
      %dma_start3A_69 = arith.constant 0 : i32
      %dma_start3A_70 = tpu.memref_slice %arg6[%dma_start3A_65, %dma_start3A_69] : memref<8x128xi32, #tpu.memory_space<vmem>> -> memref<1x128xi32, #tpu.memory_space<vmem>>
      %dma_start3A_71 = tpu.memref_squeeze %dma_start3A_70 : memref<1x128xi32, #tpu.memory_space<vmem>> -> memref<128xi32, #tpu.memory_space<vmem>>
      %dma_start3A_72 = arith.constant 0 : i32
      %dma_start3A_73 = arith.constant 0 : i32
      %dma_start3A_74 = tpu.memref_slice %arg3[%dma_start3A_72, %dma_start3A_73] : memref<1000000x16xf32, #tpu.memory_space<hbm>> -> memref<1000000x16xf32, #tpu.memory_space<hbm>>
      tpu.enqueue_indirect_dma source(%dma_start3A_74 : memref<1000000x16xf32, #tpu.memory_space<hbm>>) target(%dma_start3A_68 : memref<128x16xf32, #tpu.memory_space<vmem>>) offsets(%dma_start3A_71 : memref<128xi32, #tpu.memory_space<vmem>>) semaphore(%arg10 : memref<!tpu.dma_semaphore, #tpu.memory_space<semaphore_mem>>)
      %dma_start3A_75 = arith.constant 3 : i32
      %dma_start3A_76 = arith.constant 384 : i32
      %dma_start3A_77 = arith.constant 0 : i32
      %dma_start3A_78 = tpu.memref_slice %arg7[%dma_start3A_76, %dma_start3A_77] : memref<1024x16xf32, #tpu.memory_space<vmem>> -> memref<128x16xf32, #tpu.memory_space<vmem>>
      %dma_start3A_79 = arith.constant 0 : i32
      %dma_start3A_80 = tpu.memref_slice %arg6[%dma_start3A_75, %dma_start3A_79] : memref<8x128xi32, #tpu.memory_space<vmem>> -> memref<1x128xi32, #tpu.memory_space<vmem>>
      %dma_start3A_81 = tpu.memref_squeeze %dma_start3A_80 : memref<1x128xi32, #tpu.memory_space<vmem>> -> memref<128xi32, #tpu.memory_space<vmem>>
      %dma_start3A_82 = arith.constant 0 : i32
      %dma_start3A_83 = arith.constant 0 : i32
      %dma_start3A_84 = tpu.memref_slice %arg3[%dma_start3A_82, %dma_start3A_83] : memref<1000000x16xf32, #tpu.memory_space<hbm>> -> memref<1000000x16xf32, #tpu.memory_space<hbm>>
      tpu.enqueue_indirect_dma source(%dma_start3A_84 : memref<1000000x16xf32, #tpu.memory_space<hbm>>) target(%dma_start3A_78 : memref<128x16xf32, #tpu.memory_space<vmem>>) offsets(%dma_start3A_81 : memref<128xi32, #tpu.memory_space<vmem>>) semaphore(%arg10 : memref<!tpu.dma_semaphore, #tpu.memory_space<semaphore_mem>>)
      %dma_start3A_85 = arith.constant 4 : i32
      %dma_start3A_86 = arith.constant 512 : i32
      %dma_start3A_87 = arith.constant 0 : i32
      %dma_start3A_88 = tpu.memref_slice %arg7[%dma_start3A_86, %dma_start3A_87] : memref<1024x16xf32, #tpu.memory_space<vmem>> -> memref<128x16xf32, #tpu.memory_space<vmem>>
      %dma_start3A_89 = arith.constant 0 : i32
      %dma_start3A_90 = tpu.memref_slice %arg6[%dma_start3A_85, %dma_start3A_89] : memref<8x128xi32, #tpu.memory_space<vmem>> -> memref<1x128xi32, #tpu.memory_space<vmem>>
      %dma_start3A_91 = tpu.memref_squeeze %dma_start3A_90 : memref<1x128xi32, #tpu.memory_space<vmem>> -> memref<128xi32, #tpu.memory_space<vmem>>
      %dma_start3A_92 = arith.constant 0 : i32
      %dma_start3A_93 = arith.constant 0 : i32
      %dma_start3A_94 = tpu.memref_slice %arg3[%dma_start3A_92, %dma_start3A_93] : memref<1000000x16xf32, #tpu.memory_space<hbm>> -> memref<1000000x16xf32, #tpu.memory_space<hbm>>
      tpu.enqueue_indirect_dma source(%dma_start3A_94 : memref<1000000x16xf32, #tpu.memory_space<hbm>>) target(%dma_start3A_88 : memref<128x16xf32, #tpu.memory_space<vmem>>) offsets(%dma_start3A_91 : memref<128xi32, #tpu.memory_space<vmem>>) semaphore(%arg10 : memref<!tpu.dma_semaphore, #tpu.memory_space<semaphore_mem>>)
      %dma_start3A_95 = arith.constant 5 : i32
      %dma_start3A_96 = arith.constant 640 : i32
      %dma_start3A_97 = arith.constant 0 : i32
      %dma_start3A_98 = tpu.memref_slice %arg7[%dma_start3A_96, %dma_start3A_97] : memref<1024x16xf32, #tpu.memory_space<vmem>> -> memref<128x16xf32, #tpu.memory_space<vmem>>
      %dma_start3A_99 = arith.constant 0 : i32
      %dma_start3A_100 = tpu.memref_slice %arg6[%dma_start3A_95, %dma_start3A_99] : memref<8x128xi32, #tpu.memory_space<vmem>> -> memref<1x128xi32, #tpu.memory_space<vmem>>
      %dma_start3A_101 = tpu.memref_squeeze %dma_start3A_100 : memref<1x128xi32, #tpu.memory_space<vmem>> -> memref<128xi32, #tpu.memory_space<vmem>>
      %dma_start3A_102 = arith.constant 0 : i32
      %dma_start3A_103 = arith.constant 0 : i32
      %dma_start3A_104 = tpu.memref_slice %arg3[%dma_start3A_102, %dma_start3A_103] : memref<1000000x16xf32, #tpu.memory_space<hbm>> -> memref<1000000x16xf32, #tpu.memory_space<hbm>>
      tpu.enqueue_indirect_dma source(%dma_start3A_104 : memref<1000000x16xf32, #tpu.memory_space<hbm>>) target(%dma_start3A_98 : memref<128x16xf32, #tpu.memory_space<vmem>>) offsets(%dma_start3A_101 : memref<128xi32, #tpu.memory_space<vmem>>) semaphore(%arg10 : memref<!tpu.dma_semaphore, #tpu.memory_space<semaphore_mem>>)
      %dma_start3A_105 = arith.constant 6 : i32
      %dma_start3A_106 = arith.constant 768 : i32
      %dma_start3A_107 = arith.constant 0 : i32
      %dma_start3A_108 = tpu.memref_slice %arg7[%dma_start3A_106, %dma_start3A_107] : memref<1024x16xf32, #tpu.memory_space<vmem>> -> memref<128x16xf32, #tpu.memory_space<vmem>>
      %dma_start3A_109 = arith.constant 0 : i32
      %dma_start3A_110 = tpu.memref_slice %arg6[%dma_start3A_105, %dma_start3A_109] : memref<8x128xi32, #tpu.memory_space<vmem>> -> memref<1x128xi32, #tpu.memory_space<vmem>>
      %dma_start3A_111 = tpu.memref_squeeze %dma_start3A_110 : memref<1x128xi32, #tpu.memory_space<vmem>> -> memref<128xi32, #tpu.memory_space<vmem>>
      %dma_start3A_112 = arith.constant 0 : i32
      %dma_start3A_113 = arith.constant 0 : i32
      %dma_start3A_114 = tpu.memref_slice %arg3[%dma_start3A_112, %dma_start3A_113] : memref<1000000x16xf32, #tpu.memory_space<hbm>> -> memref<1000000x16xf32, #tpu.memory_space<hbm>>
      tpu.enqueue_indirect_dma source(%dma_start3A_114 : memref<1000000x16xf32, #tpu.memory_space<hbm>>) target(%dma_start3A_108 : memref<128x16xf32, #tpu.memory_space<vmem>>) offsets(%dma_start3A_111 : memref<128xi32, #tpu.memory_space<vmem>>) semaphore(%arg10 : memref<!tpu.dma_semaphore, #tpu.memory_space<semaphore_mem>>)
      %dma_start3A_115 = arith.constant 7 : i32
      %dma_start3A_116 = arith.constant 896 : i32
      %dma_start3A_117 = arith.constant 0 : i32
      %dma_start3A_118 = tpu.memref_slice %arg7[%dma_start3A_116, %dma_start3A_117] : memref<1024x16xf32, #tpu.memory_space<vmem>> -> memref<128x16xf32, #tpu.memory_space<vmem>>
      %dma_start3A_119 = arith.constant 0 : i32
      %dma_start3A_120 = tpu.memref_slice %arg6[%dma_start3A_115, %dma_start3A_119] : memref<8x128xi32, #tpu.memory_space<vmem>> -> memref<1x128xi32, #tpu.memory_space<vmem>>
      %dma_start3A_121 = tpu.memref_squeeze %dma_start3A_120 : memref<1x128xi32, #tpu.memory_space<vmem>> -> memref<128xi32, #tpu.memory_space<vmem>>
      %dma_start3A_122 = arith.constant 0 : i32
      %dma_start3A_123 = arith.constant 0 : i32
      %dma_start3A_124 = tpu.memref_slice %arg3[%dma_start3A_122, %dma_start3A_123] : memref<1000000x16xf32, #tpu.memory_space<hbm>> -> memref<1000000x16xf32, #tpu.memory_space<hbm>>
      tpu.enqueue_indirect_dma source(%dma_start3A_124 : memref<1000000x16xf32, #tpu.memory_space<hbm>>) target(%dma_start3A_118 : memref<128x16xf32, #tpu.memory_space<vmem>>) offsets(%dma_start3A_121 : memref<128xi32, #tpu.memory_space<vmem>>) semaphore(%arg10 : memref<!tpu.dma_semaphore, #tpu.memory_space<semaphore_mem>>)
      %dma_wait3A = arith.constant 0 : i32
      %dma_wait3A_125 = arith.constant 0 : i32
      %dma_wait3A_126 = arith.constant 0 : i32
      %dma_wait3A_127 = tpu.memref_slice %arg7[%dma_wait3A_125, %dma_wait3A_126] : memref<1024x16xf32, #tpu.memory_space<vmem>> -> memref<128x16xf32, #tpu.memory_space<vmem>>
      %dma_wait3A_128 = arith.constant 0 : i32
      %dma_wait3A_129 = tpu.memref_slice %arg6[%dma_wait3A, %dma_wait3A_128] : memref<8x128xi32, #tpu.memory_space<vmem>> -> memref<1x128xi32, #tpu.memory_space<vmem>>
      %dma_wait3A_130 = tpu.memref_squeeze %dma_wait3A_129 : memref<1x128xi32, #tpu.memory_space<vmem>> -> memref<128xi32, #tpu.memory_space<vmem>>
      %dma_wait3A_131 = arith.constant 0 : i32
      %dma_wait3A_132 = arith.constant 0 : i32
      %dma_wait3A_133 = tpu.memref_slice %arg3[%dma_wait3A_131, %dma_wait3A_132] : memref<1000000x16xf32, #tpu.memory_space<hbm>> -> memref<1000000x16xf32, #tpu.memory_space<hbm>>
      tpu.wait_indirect_dma semaphore(%arg10 : memref<!tpu.dma_semaphore, #tpu.memory_space<semaphore_mem>>) src(%dma_wait3A_133 : memref<1000000x16xf32, #tpu.memory_space<hbm>>) dst(%dma_wait3A_127 : memref<128x16xf32, #tpu.memory_space<vmem>>)
      %dma_wait3A_134 = arith.constant 1 : i32
      %dma_wait3A_135 = arith.constant 128 : i32
      %dma_wait3A_136 = arith.constant 0 : i32
      %dma_wait3A_137 = tpu.memref_slice %arg7[%dma_wait3A_135, %dma_wait3A_136] : memref<1024x16xf32, #tpu.memory_space<vmem>> -> memref<128x16xf32, #tpu.memory_space<vmem>>
      %dma_wait3A_138 = arith.constant 0 : i32
      %dma_wait3A_139 = tpu.memref_slice %arg6[%dma_wait3A_134, %dma_wait3A_138] : memref<8x128xi32, #tpu.memory_space<vmem>> -> memref<1x128xi32, #tpu.memory_space<vmem>>
      %dma_wait3A_140 = tpu.memref_squeeze %dma_wait3A_139 : memref<1x128xi32, #tpu.memory_space<vmem>> -> memref<128xi32, #tpu.memory_space<vmem>>
      %dma_wait3A_141 = arith.constant 0 : i32
      %dma_wait3A_142 = arith.constant 0 : i32
      %dma_wait3A_143 = tpu.memref_slice %arg3[%dma_wait3A_141, %dma_wait3A_142] : memref<1000000x16xf32, #tpu.memory_space<hbm>> -> memref<1000000x16xf32, #tpu.memory_space<hbm>>
      tpu.wait_indirect_dma semaphore(%arg10 : memref<!tpu.dma_semaphore, #tpu.memory_space<semaphore_mem>>) src(%dma_wait3A_143 : memref<1000000x16xf32, #tpu.memory_space<hbm>>) dst(%dma_wait3A_137 : memref<128x16xf32, #tpu.memory_space<vmem>>)
      %dma_wait3A_144 = arith.constant 2 : i32
      %dma_wait3A_145 = arith.constant 256 : i32
      %dma_wait3A_146 = arith.constant 0 : i32
      %dma_wait3A_147 = tpu.memref_slice %arg7[%dma_wait3A_145, %dma_wait3A_146] : memref<1024x16xf32, #tpu.memory_space<vmem>> -> memref<128x16xf32, #tpu.memory_space<vmem>>
      %dma_wait3A_148 = arith.constant 0 : i32
      %dma_wait3A_149 = tpu.memref_slice %arg6[%dma_wait3A_144, %dma_wait3A_148] : memref<8x128xi32, #tpu.memory_space<vmem>> -> memref<1x128xi32, #tpu.memory_space<vmem>>
      %dma_wait3A_150 = tpu.memref_squeeze %dma_wait3A_149 : memref<1x128xi32, #tpu.memory_space<vmem>> -> memref<128xi32, #tpu.memory_space<vmem>>
      %dma_wait3A_151 = arith.constant 0 : i32
      %dma_wait3A_152 = arith.constant 0 : i32
      %dma_wait3A_153 = tpu.memref_slice %arg3[%dma_wait3A_151, %dma_wait3A_152] : memref<1000000x16xf32, #tpu.memory_space<hbm>> -> memref<1000000x16xf32, #tpu.memory_space<hbm>>
      tpu.wait_indirect_dma semaphore(%arg10 : memref<!tpu.dma_semaphore, #tpu.memory_space<semaphore_mem>>) src(%dma_wait3A_153 : memref<1000000x16xf32, #tpu.memory_space<hbm>>) dst(%dma_wait3A_147 : memref<128x16xf32, #tpu.memory_space<vmem>>)
      %dma_wait3A_154 = arith.constant 3 : i32
      %dma_wait3A_155 = arith.constant 384 : i32
      %dma_wait3A_156 = arith.constant 0 : i32
      %dma_wait3A_157 = tpu.memref_slice %arg7[%dma_wait3A_155, %dma_wait3A_156] : memref<1024x16xf32, #tpu.memory_space<vmem>> -> memref<128x16xf32, #tpu.memory_space<vmem>>
      %dma_wait3A_158 = arith.constant 0 : i32
      %dma_wait3A_159 = tpu.memref_slice %arg6[%dma_wait3A_154, %dma_wait3A_158] : memref<8x128xi32, #tpu.memory_space<vmem>> -> memref<1x128xi32, #tpu.memory_space<vmem>>
      %dma_wait3A_160 = tpu.memref_squeeze %dma_wait3A_159 : memref<1x128xi32, #tpu.memory_space<vmem>> -> memref<128xi32, #tpu.memory_space<vmem>>
      %dma_wait3A_161 = arith.constant 0 : i32
      %dma_wait3A_162 = arith.constant 0 : i32
      %dma_wait3A_163 = tpu.memref_slice %arg3[%dma_wait3A_161, %dma_wait3A_162] : memref<1000000x16xf32, #tpu.memory_space<hbm>> -> memref<1000000x16xf32, #tpu.memory_space<hbm>>
      tpu.wait_indirect_dma semaphore(%arg10 : memref<!tpu.dma_semaphore, #tpu.memory_space<semaphore_mem>>) src(%dma_wait3A_163 : memref<1000000x16xf32, #tpu.memory_space<hbm>>) dst(%dma_wait3A_157 : memref<128x16xf32, #tpu.memory_space<vmem>>)
      %dma_wait3A_164 = arith.constant 4 : i32
      %dma_wait3A_165 = arith.constant 512 : i32
      %dma_wait3A_166 = arith.constant 0 : i32
      %dma_wait3A_167 = tpu.memref_slice %arg7[%dma_wait3A_165, %dma_wait3A_166] : memref<1024x16xf32, #tpu.memory_space<vmem>> -> memref<128x16xf32, #tpu.memory_space<vmem>>
      %dma_wait3A_168 = arith.constant 0 : i32
      %dma_wait3A_169 = tpu.memref_slice %arg6[%dma_wait3A_164, %dma_wait3A_168] : memref<8x128xi32, #tpu.memory_space<vmem>> -> memref<1x128xi32, #tpu.memory_space<vmem>>
      %dma_wait3A_170 = tpu.memref_squeeze %dma_wait3A_169 : memref<1x128xi32, #tpu.memory_space<vmem>> -> memref<128xi32, #tpu.memory_space<vmem>>
      %dma_wait3A_171 = arith.constant 0 : i32
      %dma_wait3A_172 = arith.constant 0 : i32
      %dma_wait3A_173 = tpu.memref_slice %arg3[%dma_wait3A_171, %dma_wait3A_172] : memref<1000000x16xf32, #tpu.memory_space<hbm>> -> memref<1000000x16xf32, #tpu.memory_space<hbm>>
      tpu.wait_indirect_dma semaphore(%arg10 : memref<!tpu.dma_semaphore, #tpu.memory_space<semaphore_mem>>) src(%dma_wait3A_173 : memref<1000000x16xf32, #tpu.memory_space<hbm>>) dst(%dma_wait3A_167 : memref<128x16xf32, #tpu.memory_space<vmem>>)
      %dma_wait3A_174 = arith.constant 5 : i32
      %dma_wait3A_175 = arith.constant 640 : i32
      %dma_wait3A_176 = arith.constant 0 : i32
      %dma_wait3A_177 = tpu.memref_slice %arg7[%dma_wait3A_175, %dma_wait3A_176] : memref<1024x16xf32, #tpu.memory_space<vmem>> -> memref<128x16xf32, #tpu.memory_space<vmem>>
      %dma_wait3A_178 = arith.constant 0 : i32
      %dma_wait3A_179 = tpu.memref_slice %arg6[%dma_wait3A_174, %dma_wait3A_178] : memref<8x128xi32, #tpu.memory_space<vmem>> -> memref<1x128xi32, #tpu.memory_space<vmem>>
      %dma_wait3A_180 = tpu.memref_squeeze %dma_wait3A_179 : memref<1x128xi32, #tpu.memory_space<vmem>> -> memref<128xi32, #tpu.memory_space<vmem>>
      %dma_wait3A_181 = arith.constant 0 : i32
      %dma_wait3A_182 = arith.constant 0 : i32
      %dma_wait3A_183 = tpu.memref_slice %arg3[%dma_wait3A_181, %dma_wait3A_182] : memref<1000000x16xf32, #tpu.memory_space<hbm>> -> memref<1000000x16xf32, #tpu.memory_space<hbm>>
      tpu.wait_indirect_dma semaphore(%arg10 : memref<!tpu.dma_semaphore, #tpu.memory_space<semaphore_mem>>) src(%dma_wait3A_183 : memref<1000000x16xf32, #tpu.memory_space<hbm>>) dst(%dma_wait3A_177 : memref<128x16xf32, #tpu.memory_space<vmem>>)
      %dma_wait3A_184 = arith.constant 6 : i32
      %dma_wait3A_185 = arith.constant 768 : i32
      %dma_wait3A_186 = arith.constant 0 : i32
      %dma_wait3A_187 = tpu.memref_slice %arg7[%dma_wait3A_185, %dma_wait3A_186] : memref<1024x16xf32, #tpu.memory_space<vmem>> -> memref<128x16xf32, #tpu.memory_space<vmem>>
      %dma_wait3A_188 = arith.constant 0 : i32
      %dma_wait3A_189 = tpu.memref_slice %arg6[%dma_wait3A_184, %dma_wait3A_188] : memref<8x128xi32, #tpu.memory_space<vmem>> -> memref<1x128xi32, #tpu.memory_space<vmem>>
      %dma_wait3A_190 = tpu.memref_squeeze %dma_wait3A_189 : memref<1x128xi32, #tpu.memory_space<vmem>> -> memref<128xi32, #tpu.memory_space<vmem>>
      %dma_wait3A_191 = arith.constant 0 : i32
      %dma_wait3A_192 = arith.constant 0 : i32
      %dma_wait3A_193 = tpu.memref_slice %arg3[%dma_wait3A_191, %dma_wait3A_192] : memref<1000000x16xf32, #tpu.memory_space<hbm>> -> memref<1000000x16xf32, #tpu.memory_space<hbm>>
      tpu.wait_indirect_dma semaphore(%arg10 : memref<!tpu.dma_semaphore, #tpu.memory_space<semaphore_mem>>) src(%dma_wait3A_193 : memref<1000000x16xf32, #tpu.memory_space<hbm>>) dst(%dma_wait3A_187 : memref<128x16xf32, #tpu.memory_space<vmem>>)
      %dma_wait3A_194 = arith.constant 7 : i32
      %dma_wait3A_195 = arith.constant 896 : i32
      %dma_wait3A_196 = arith.constant 0 : i32
      %dma_wait3A_197 = tpu.memref_slice %arg7[%dma_wait3A_195, %dma_wait3A_196] : memref<1024x16xf32, #tpu.memory_space<vmem>> -> memref<128x16xf32, #tpu.memory_space<vmem>>
      %dma_wait3A_198 = arith.constant 0 : i32
      %dma_wait3A_199 = tpu.memref_slice %arg6[%dma_wait3A_194, %dma_wait3A_198] : memref<8x128xi32, #tpu.memory_space<vmem>> -> memref<1x128xi32, #tpu.memory_space<vmem>>
      %dma_wait3A_200 = tpu.memref_squeeze %dma_wait3A_199 : memref<1x128xi32, #tpu.memory_space<vmem>> -> memref<128xi32, #tpu.memory_space<vmem>>
      %dma_wait3A_201 = arith.constant 0 : i32
      %dma_wait3A_202 = arith.constant 0 : i32
      %dma_wait3A_203 = tpu.memref_slice %arg3[%dma_wait3A_201, %dma_wait3A_202] : memref<1000000x16xf32, #tpu.memory_space<hbm>> -> memref<1000000x16xf32, #tpu.memory_space<hbm>>
      tpu.wait_indirect_dma semaphore(%arg10 : memref<!tpu.dma_semaphore, #tpu.memory_space<semaphore_mem>>) src(%dma_wait3A_203 : memref<1000000x16xf32, #tpu.memory_space<hbm>>) dst(%dma_wait3A_197 : memref<128x16xf32, #tpu.memory_space<vmem>>)
      %get3A = arith.index_cast %select_n3A : i32 to index
      %get3A_204 = arith.constant 0 : index
      %get3A_205 = tpu.vector_load %arg9[%get3A, %get3A_204] {strides = array<i32>} : memref<200x16xf32, #tpu.memory_space<vmem>>, vector<16xf32>,
      %scan3A_206 = arith.constant 0 : i32
      %scan3A_207 = arith.constant 0 : i32
      %scan3A_208 = arith.constant 64 : i32
      %scan3A_209 = arith.addi %scan3A_207, %scan3A_208 : i32
      %scan3A_210 = arith.constant 1 : i32
      %scan3A_211 = scf.for %scan3A_430 = %scan3A_207 to %scan3A_209 step %scan3A_210 iter_args(%scan3A_431 = %scan3A_206) -> (i32)  : i32 {
        %mul3A_432 = arith.constant 16 : i32
        %mul3A_433 = arith.muli %scan3A_430, %mul3A_432 : i32
        %add3A_434 = vector.broadcast %mul3A_433 : i32 to vector<16xi32>
        %add3A_435 = arith.addi %iota3A, %add3A_434 : vector<16xi32>
        %mul3A_436 = arith.constant 0 : i32
        %mul3A_437 = vector.broadcast %mul3A_436 : i32 to vector<16xi32>
        %mul3A_438 = arith.muli %iota3A, %mul3A_437 : vector<16xi32>
        %add3A_439 = arith.constant 0 : i32
        %add3A_440 = vector.broadcast %add3A_439 : i32 to vector<16xi32>
        %add3A_441 = arith.addi %mul3A_438, %add3A_440 : vector<16xi32>
        %gather3A = tpu.vector_load_idx %arg7[%add3A_435, %add3A_441] : memref<1024x16xf32, #tpu.memory_space<vmem>>[vector<16xi32>, vector<16xi32>], vector<16xf32>,
        %add3A_442 = arith.addf %gather3A, %get3A_205 : vector<16xf32>
        %mul3A_443 = arith.constant 16 : i32
        %mul3A_444 = arith.muli %scan3A_430, %mul3A_443 : i32
        %swap3A = arith.constant 0 : i32
        %swap3A_445 = arith.index_cast %swap3A : i32 to index
        %swap3A_446 = arith.index_cast %mul3A_444 : i32 to index
        %swap3A_447 = tpu.vector_load %arg8[%swap3A_445, %swap3A_446] {strides = array<i32>} : memref<9x1024xf32, #tpu.memory_space<vmem>>, vector<16xf32>,
        tpu.vector_store %arg8[%swap3A_445, %swap3A_446], %add3A_442 {strides = array<i32>} : memref<9x1024xf32, #tpu.memory_space<vmem>>, vector<16xf32>,
        %mul3A_448 = arith.constant 0 : i32
        %mul3A_449 = vector.broadcast %mul3A_448 : i32 to vector<16xi32>
        %mul3A_450 = arith.muli %iota3A, %mul3A_449 : vector<16xi32>
        %add3A_451 = arith.constant 1 : i32
        %add3A_452 = vector.broadcast %add3A_451 : i32 to vector<16xi32>
        %add3A_453 = arith.addi %mul3A_450, %add3A_452 : vector<16xi32>
        %gather3A_454 = tpu.vector_load_idx %arg7[%add3A_435, %add3A_453] : memref<1024x16xf32, #tpu.memory_space<vmem>>[vector<16xi32>, vector<16xi32>], vector<16xf32>,
        %add3A_455 = arith.addf %gather3A_454, %get3A_205 : vector<16xf32>
        %mul3A_456 = arith.constant 16 : i32
        %mul3A_457 = arith.muli %scan3A_430, %mul3A_456 : i32
        %swap3A_458 = arith.constant 1 : i32
        %swap3A_459 = arith.index_cast %swap3A_458 : i32 to index
        %swap3A_460 = arith.index_cast %mul3A_457 : i32 to index
        %swap3A_461 = tpu.vector_load %arg8[%swap3A_459, %swap3A_460] {strides = array<i32>} : memref<9x1024xf32, #tpu.memory_space<vmem>>, vector<16xf32>,
        tpu.vector_store %arg8[%swap3A_459, %swap3A_460], %add3A_455 {strides = array<i32>} : memref<9x1024xf32, #tpu.memory_space<vmem>>, vector<16xf32>,
        %mul3A_462 = arith.constant 0 : i32
        %mul3A_463 = vector.broadcast %mul3A_462 : i32 to vector<16xi32>
        %mul3A_464 = arith.muli %iota3A, %mul3A_463 : vector<16xi32>
        %add3A_465 = arith.constant 2 : i32
        %add3A_466 = vector.broadcast %add3A_465 : i32 to vector<16xi32>
        %add3A_467 = arith.addi %mul3A_464, %add3A_466 : vector<16xi32>
        %gather3A_468 = tpu.vector_load_idx %arg7[%add3A_435, %add3A_467] : memref<1024x16xf32, #tpu.memory_space<vmem>>[vector<16xi32>, vector<16xi32>], vector<16xf32>,
        %add3A_469 = arith.addf %gather3A_468, %get3A_205 : vector<16xf32>
        %mul3A_470 = arith.constant 16 : i32
        %mul3A_471 = arith.muli %scan3A_430, %mul3A_470 : i32
        %swap3A_472 = arith.constant 2 : i32
        %swap3A_473 = arith.index_cast %swap3A_472 : i32 to index
        %swap3A_474 = arith.index_cast %mul3A_471 : i32 to index
        %swap3A_475 = tpu.vector_load %arg8[%swap3A_473, %swap3A_474] {strides = array<i32>} : memref<9x1024xf32, #tpu.memory_space<vmem>>, vector<16xf32>,
        tpu.vector_store %arg8[%swap3A_473, %swap3A_474], %add3A_469 {strides = array<i32>} : memref<9x1024xf32, #tpu.memory_space<vmem>>, vector<16xf32>,
        %mul3A_476 = arith.constant 0 : i32
        %mul3A_477 = vector.broadcast %mul3A_476 : i32 to vector<16xi32>
        %mul3A_478 = arith.muli %iota3A, %mul3A_477 : vector<16xi32>
        %add3A_479 = arith.constant 3 : i32
        %add3A_480 = vector.broadcast %add3A_479 : i32 to vector<16xi32>
        %add3A_481 = arith.addi %mul3A_478, %add3A_480 : vector<16xi32>
        %gather3A_482 = tpu.vector_load_idx %arg7[%add3A_435, %add3A_481] : memref<1024x16xf32, #tpu.memory_space<vmem>>[vector<16xi32>, vector<16xi32>], vector<16xf32>,
        %mul3A_483 = arith.constant 16 : i32
        %mul3A_484 = arith.muli %scan3A_430, %mul3A_483 : i32
        %swap3A_485 = arith.constant 3 : i32
        %swap3A_486 = arith.index_cast %swap3A_485 : i32 to index
        %swap3A_487 = arith.index_cast %mul3A_484 : i32 to index
        %swap3A_488 = tpu.vector_load %arg8[%swap3A_486, %swap3A_487] {strides = array<i32>} : memref<9x1024xf32, #tpu.memory_space<vmem>>, vector<16xf32>,
        tpu.vector_store %arg8[%swap3A_486, %swap3A_487], %gather3A_482 {strides = array<i32>} : memref<9x1024xf32, #tpu.memory_space<vmem>>, vector<16xf32>,
        %mul3A_489 = arith.constant 0 : i32
        %mul3A_490 = vector.broadcast %mul3A_489 : i32 to vector<16xi32>
        %mul3A_491 = arith.muli %iota3A, %mul3A_490 : vector<16xi32>
        %add3A_492 = arith.constant 4 : i32
        %add3A_493 = vector.broadcast %add3A_492 : i32 to vector<16xi32>
        %add3A_494 = arith.addi %mul3A_491, %add3A_493 : vector<16xi32>
        %gather3A_495 = tpu.vector_load_idx %arg7[%add3A_435, %add3A_494] : memref<1024x16xf32, #tpu.memory_space<vmem>>[vector<16xi32>, vector<16xi32>], vector<16xf32>,
        %mul3A_496 = arith.constant 16 : i32
        %mul3A_497 = arith.muli %scan3A_430, %mul3A_496 : i32
        %swap3A_498 = arith.constant 4 : i32
        %swap3A_499 = arith.index_cast %swap3A_498 : i32 to index
        %swap3A_500 = arith.index_cast %mul3A_497 : i32 to index
        %swap3A_501 = tpu.vector_load %arg8[%swap3A_499, %swap3A_500] {strides = array<i32>} : memref<9x1024xf32, #tpu.memory_space<vmem>>, vector<16xf32>,
        tpu.vector_store %arg8[%swap3A_499, %swap3A_500], %gather3A_495 {strides = array<i32>} : memref<9x1024xf32, #tpu.memory_space<vmem>>, vector<16xf32>,
        %mul3A_502 = arith.constant 0 : i32
        %mul3A_503 = vector.broadcast %mul3A_502 : i32 to vector<16xi32>
        %mul3A_504 = arith.muli %iota3A, %mul3A_503 : vector<16xi32>
        %add3A_505 = arith.constant 5 : i32
        %add3A_506 = vector.broadcast %add3A_505 : i32 to vector<16xi32>
        %add3A_507 = arith.addi %mul3A_504, %add3A_506 : vector<16xi32>
        %gather3A_508 = tpu.vector_load_idx %arg7[%add3A_435, %add3A_507] : memref<1024x16xf32, #tpu.memory_space<vmem>>[vector<16xi32>, vector<16xi32>], vector<16xf32>,
        %mul3A_509 = arith.constant 16 : i32
        %mul3A_510 = arith.muli %scan3A_430, %mul3A_509 : i32
        %swap3A_511 = arith.constant 5 : i32
        %swap3A_512 = arith.index_cast %swap3A_511 : i32 to index
        %swap3A_513 = arith.index_cast %mul3A_510 : i32 to index
        %swap3A_514 = tpu.vector_load %arg8[%swap3A_512, %swap3A_513] {strides = array<i32>} : memref<9x1024xf32, #tpu.memory_space<vmem>>, vector<16xf32>,
        tpu.vector_store %arg8[%swap3A_512, %swap3A_513], %gather3A_508 {strides = array<i32>} : memref<9x1024xf32, #tpu.memory_space<vmem>>, vector<16xf32>,
        %mul3A_515 = arith.constant 0 : i32
        %mul3A_516 = vector.broadcast %mul3A_515 : i32 to vector<16xi32>
        %mul3A_517 = arith.muli %iota3A, %mul3A_516 : vector<16xi32>
        %add3A_518 = arith.constant 6 : i32
        %add3A_519 = vector.broadcast %add3A_518 : i32 to vector<16xi32>
        %add3A_520 = arith.addi %mul3A_517, %add3A_519 : vector<16xi32>
        %gather3A_521 = tpu.vector_load_idx %arg7[%add3A_435, %add3A_520] : memref<1024x16xf32, #tpu.memory_space<vmem>>[vector<16xi32>, vector<16xi32>], vector<16xf32>,
        %mul3A_522 = arith.constant 16 : i32
        %mul3A_523 = arith.muli %scan3A_430, %mul3A_522 : i32
        %swap3A_524 = arith.constant 6 : i32
        %swap3A_525 = arith.index_cast %swap3A_524 : i32 to index
        %swap3A_526 = arith.index_cast %mul3A_523 : i32 to index
        %swap3A_527 = tpu.vector_load %arg8[%swap3A_525, %swap3A_526] {strides = array<i32>} : memref<9x1024xf32, #tpu.memory_space<vmem>>, vector<16xf32>,
        tpu.vector_store %arg8[%swap3A_525, %swap3A_526], %gather3A_521 {strides = array<i32>} : memref<9x1024xf32, #tpu.memory_space<vmem>>, vector<16xf32>,
        %mul3A_528 = arith.constant 0 : i32
        %mul3A_529 = vector.broadcast %mul3A_528 : i32 to vector<16xi32>
        %mul3A_530 = arith.muli %iota3A, %mul3A_529 : vector<16xi32>
        %add3A_531 = arith.constant 7 : i32
        %add3A_532 = vector.broadcast %add3A_531 : i32 to vector<16xi32>
        %add3A_533 = arith.addi %mul3A_530, %add3A_532 : vector<16xi32>
        %gather3A_534 = tpu.vector_load_idx %arg7[%add3A_435, %add3A_533] : memref<1024x16xf32, #tpu.memory_space<vmem>>[vector<16xi32>, vector<16xi32>], vector<16xf32>,
        %mul3A_535 = arith.constant 16 : i32
        %mul3A_536 = arith.muli %scan3A_430, %mul3A_535 : i32
        %swap3A_537 = arith.constant 7 : i32
        %swap3A_538 = arith.index_cast %swap3A_537 : i32 to index
        %swap3A_539 = arith.index_cast %mul3A_536 : i32 to index
        %swap3A_540 = tpu.vector_load %arg8[%swap3A_538, %swap3A_539] {strides = array<i32>} : memref<9x1024xf32, #tpu.memory_space<vmem>>, vector<16xf32>,
        tpu.vector_store %arg8[%swap3A_538, %swap3A_539], %gather3A_534 {strides = array<i32>} : memref<9x1024xf32, #tpu.memory_space<vmem>>, vector<16xf32>,
        %mul3A_541 = arith.constant 0 : i32
        %mul3A_542 = vector.broadcast %mul3A_541 : i32 to vector<16xi32>
        %mul3A_543 = arith.muli %iota3A, %mul3A_542 : vector<16xi32>
        %add3A_544 = arith.constant 8 : i32
        %add3A_545 = vector.broadcast %add3A_544 : i32 to vector<16xi32>
        %add3A_546 = arith.addi %mul3A_543, %add3A_545 : vector<16xi32>
        %gather3A_547 = tpu.vector_load_idx %arg7[%add3A_435, %add3A_546] : memref<1024x16xf32, #tpu.memory_space<vmem>>[vector<16xi32>, vector<16xi32>], vector<16xf32>,
        %mul3A_548 = arith.constant 16 : i32
        %mul3A_549 = arith.muli %scan3A_430, %mul3A_548 : i32
        %swap3A_550 = arith.constant 8 : i32
        %swap3A_551 = arith.index_cast %swap3A_550 : i32 to index
        %swap3A_552 = arith.index_cast %mul3A_549 : i32 to index
        %swap3A_553 = tpu.vector_load %arg8[%swap3A_551, %swap3A_552] {strides = array<i32>} : memref<9x1024xf32, #tpu.memory_space<vmem>>, vector<16xf32>,
        tpu.vector_store %arg8[%swap3A_551, %swap3A_552], %gather3A_547 {strides = array<i32>} : memref<9x1024xf32, #tpu.memory_space<vmem>>, vector<16xf32>,
        %scan3A_554 = arith.constant 0 : i32
        scf.yield %scan3A_554 : i32
      }
      %scan3A_212 = arith.constant 64 : i32
      %dma_start3A_213 = arith.constant 0 : i32
      %dma_start3A_214 = arith.constant 0 : i32
      %dma_start3A_215 = arith.constant 0 : i32
      %dma_start3A_216 = tpu.memref_slice %arg8[%dma_start3A_213, %dma_start3A_215] : memref<9x1024xf32, #tpu.memory_space<vmem>> -> memref<1x1024xf32, #tpu.memory_space<vmem>>
      %dma_start3A_217 = tpu.memref_squeeze %dma_start3A_216 : memref<1x1024xf32, #tpu.memory_space<vmem>> -> memref<1024xf32, #tpu.memory_space<vmem>>
      %dma_start3A_218 = tpu.memref_slice %arg5[%dma_start3A_214, %select_n3A, %mul3A_43] : memref<9x200x4096xf32, #tpu.memory_space<hbm>> -> memref<1x1x1024xf32, #tpu.memory_space<hbm>>
      %dma_start3A_219 = tpu.memref_squeeze %dma_start3A_218 : memref<1x1x1024xf32, #tpu.memory_space<hbm>> -> memref<1024xf32, #tpu.memory_space<hbm>>
      %dma_start3A_220 = tpu.memref_slice %arg5[%dma_start3A_214, %select_n3A, %mul3A_43] : memref<9x200x4096xf32, #tpu.memory_space<hbm>> -> memref<1x1x1024xf32, #tpu.memory_space<hbm>>
      %dma_start3A_221 = tpu.memref_squeeze %dma_start3A_220 : memref<1x1x1024xf32, #tpu.memory_space<hbm>> -> memref<1024xf32, #tpu.memory_space<hbm>>
      %dma_start3A_222 = arith.constant 0 : i32
      %dma_start3A_223 = tpu.memref_slice %arg8[%dma_start3A_213, %dma_start3A_222] : memref<9x1024xf32, #tpu.memory_space<vmem>> -> memref<1x1024xf32, #tpu.memory_space<vmem>>
      %dma_start3A_224 = tpu.memref_squeeze %dma_start3A_223 : memref<1x1024xf32, #tpu.memory_space<vmem>> -> memref<1024xf32, #tpu.memory_space<vmem>>
      tpu.enqueue_dma source(%dma_start3A_224 : memref<1024xf32, #tpu.memory_space<vmem>>) target(%dma_start3A_221 : memref<1024xf32, #tpu.memory_space<hbm>>) target_semaphore(%arg10 : memref<!tpu.dma_semaphore, #tpu.memory_space<semaphore_mem>>)
      %dma_start3A_225 = arith.constant 1 : i32
      %dma_start3A_226 = arith.constant 1 : i32
      %dma_start3A_227 = arith.constant 0 : i32
      %dma_start3A_228 = tpu.memref_slice %arg8[%dma_start3A_225, %dma_start3A_227] : memref<9x1024xf32, #tpu.memory_space<vmem>> -> memref<1x1024xf32, #tpu.memory_space<vmem>>
      %dma_start3A_229 = tpu.memref_squeeze %dma_start3A_228 : memref<1x1024xf32, #tpu.memory_space<vmem>> -> memref<1024xf32, #tpu.memory_space<vmem>>
      %dma_start3A_230 = tpu.memref_slice %arg5[%dma_start3A_226, %select_n3A, %mul3A_43] : memref<9x200x4096xf32, #tpu.memory_space<hbm>> -> memref<1x1x1024xf32, #tpu.memory_space<hbm>>
      %dma_start3A_231 = tpu.memref_squeeze %dma_start3A_230 : memref<1x1x1024xf32, #tpu.memory_space<hbm>> -> memref<1024xf32, #tpu.memory_space<hbm>>
      %dma_start3A_232 = tpu.memref_slice %arg5[%dma_start3A_226, %select_n3A, %mul3A_43] : memref<9x200x4096xf32, #tpu.memory_space<hbm>> -> memref<1x1x1024xf32, #tpu.memory_space<hbm>>
      %dma_start3A_233 = tpu.memref_squeeze %dma_start3A_232 : memref<1x1x1024xf32, #tpu.memory_space<hbm>> -> memref<1024xf32, #tpu.memory_space<hbm>>
      %dma_start3A_234 = arith.constant 0 : i32
      %dma_start3A_235 = tpu.memref_slice %arg8[%dma_start3A_225, %dma_start3A_234] : memref<9x1024xf32, #tpu.memory_space<vmem>> -> memref<1x1024xf32, #tpu.memory_space<vmem>>
      %dma_start3A_236 = tpu.memref_squeeze %dma_start3A_235 : memref<1x1024xf32, #tpu.memory_space<vmem>> -> memref<1024xf32, #tpu.memory_space<vmem>>
      tpu.enqueue_dma source(%dma_start3A_236 : memref<1024xf32, #tpu.memory_space<vmem>>) target(%dma_start3A_233 : memref<1024xf32, #tpu.memory_space<hbm>>) target_semaphore(%arg10 : memref<!tpu.dma_semaphore, #tpu.memory_space<semaphore_mem>>)
      %dma_start3A_237 = arith.constant 2 : i32
      %dma_start3A_238 = arith.constant 2 : i32
      %dma_start3A_239 = arith.constant 0 : i32
      %dma_start3A_240 = tpu.memref_slice %arg8[%dma_start3A_237, %dma_start3A_239] : memref<9x1024xf32, #tpu.memory_space<vmem>> -> memref<1x1024xf32, #tpu.memory_space<vmem>>
      %dma_start3A_241 = tpu.memref_squeeze %dma_start3A_240 : memref<1x1024xf32, #tpu.memory_space<vmem>> -> memref<1024xf32, #tpu.memory_space<vmem>>
      %dma_start3A_242 = tpu.memref_slice %arg5[%dma_start3A_238, %select_n3A, %mul3A_43] : memref<9x200x4096xf32, #tpu.memory_space<hbm>> -> memref<1x1x1024xf32, #tpu.memory_space<hbm>>
      %dma_start3A_243 = tpu.memref_squeeze %dma_start3A_242 : memref<1x1x1024xf32, #tpu.memory_space<hbm>> -> memref<1024xf32, #tpu.memory_space<hbm>>
      %dma_start3A_244 = tpu.memref_slice %arg5[%dma_start3A_238, %select_n3A, %mul3A_43] : memref<9x200x4096xf32, #tpu.memory_space<hbm>> -> memref<1x1x1024xf32, #tpu.memory_space<hbm>>
      %dma_start3A_245 = tpu.memref_squeeze %dma_start3A_244 : memref<1x1x1024xf32, #tpu.memory_space<hbm>> -> memref<1024xf32, #tpu.memory_space<hbm>>
      %dma_start3A_246 = arith.constant 0 : i32
      %dma_start3A_247 = tpu.memref_slice %arg8[%dma_start3A_237, %dma_start3A_246] : memref<9x1024xf32, #tpu.memory_space<vmem>> -> memref<1x1024xf32, #tpu.memory_space<vmem>>
      %dma_start3A_248 = tpu.memref_squeeze %dma_start3A_247 : memref<1x1024xf32, #tpu.memory_space<vmem>> -> memref<1024xf32, #tpu.memory_space<vmem>>
      tpu.enqueue_dma source(%dma_start3A_248 : memref<1024xf32, #tpu.memory_space<vmem>>) target(%dma_start3A_245 : memref<1024xf32, #tpu.memory_space<hbm>>) target_semaphore(%arg10 : memref<!tpu.dma_semaphore, #tpu.memory_space<semaphore_mem>>)
      %dma_start3A_249 = arith.constant 3 : i32
      %dma_start3A_250 = arith.constant 3 : i32
      %dma_start3A_251 = arith.constant 0 : i32
      %dma_start3A_252 = tpu.memref_slice %arg8[%dma_start3A_249, %dma_start3A_251] : memref<9x1024xf32, #tpu.memory_space<vmem>> -> memref<1x1024xf32, #tpu.memory_space<vmem>>
      %dma_start3A_253 = tpu.memref_squeeze %dma_start3A_252 : memref<1x1024xf32, #tpu.memory_space<vmem>> -> memref<1024xf32, #tpu.memory_space<vmem>>
      %dma_start3A_254 = tpu.memref_slice %arg5[%dma_start3A_250, %select_n3A, %mul3A_43] : memref<9x200x4096xf32, #tpu.memory_space<hbm>> -> memref<1x1x1024xf32, #tpu.memory_space<hbm>>
      %dma_start3A_255 = tpu.memref_squeeze %dma_start3A_254 : memref<1x1x1024xf32, #tpu.memory_space<hbm>> -> memref<1024xf32, #tpu.memory_space<hbm>>
      %dma_start3A_256 = tpu.memref_slice %arg5[%dma_start3A_250, %select_n3A, %mul3A_43] : memref<9x200x4096xf32, #tpu.memory_space<hbm>> -> memref<1x1x1024xf32, #tpu.memory_space<hbm>>
      %dma_start3A_257 = tpu.memref_squeeze %dma_start3A_256 : memref<1x1x1024xf32, #tpu.memory_space<hbm>> -> memref<1024xf32, #tpu.memory_space<hbm>>
      %dma_start3A_258 = arith.constant 0 : i32
      %dma_start3A_259 = tpu.memref_slice %arg8[%dma_start3A_249, %dma_start3A_258] : memref<9x1024xf32, #tpu.memory_space<vmem>> -> memref<1x1024xf32, #tpu.memory_space<vmem>>
      %dma_start3A_260 = tpu.memref_squeeze %dma_start3A_259 : memref<1x1024xf32, #tpu.memory_space<vmem>> -> memref<1024xf32, #tpu.memory_space<vmem>>
      tpu.enqueue_dma source(%dma_start3A_260 : memref<1024xf32, #tpu.memory_space<vmem>>) target(%dma_start3A_257 : memref<1024xf32, #tpu.memory_space<hbm>>) target_semaphore(%arg10 : memref<!tpu.dma_semaphore, #tpu.memory_space<semaphore_mem>>)
      %dma_start3A_261 = arith.constant 4 : i32
      %dma_start3A_262 = arith.constant 4 : i32
      %dma_start3A_263 = arith.constant 0 : i32
      %dma_start3A_264 = tpu.memref_slice %arg8[%dma_start3A_261, %dma_start3A_263] : memref<9x1024xf32, #tpu.memory_space<vmem>> -> memref<1x1024xf32, #tpu.memory_space<vmem>>
      %dma_start3A_265 = tpu.memref_squeeze %dma_start3A_264 : memref<1x1024xf32, #tpu.memory_space<vmem>> -> memref<1024xf32, #tpu.memory_space<vmem>>
      %dma_start3A_266 = tpu.memref_slice %arg5[%dma_start3A_262, %select_n3A, %mul3A_43] : memref<9x200x4096xf32, #tpu.memory_space<hbm>> -> memref<1x1x1024xf32, #tpu.memory_space<hbm>>
      %dma_start3A_267 = tpu.memref_squeeze %dma_start3A_266 : memref<1x1x1024xf32, #tpu.memory_space<hbm>> -> memref<1024xf32, #tpu.memory_space<hbm>>
      %dma_start3A_268 = tpu.memref_slice %arg5[%dma_start3A_262, %select_n3A, %mul3A_43] : memref<9x200x4096xf32, #tpu.memory_space<hbm>> -> memref<1x1x1024xf32, #tpu.memory_space<hbm>>
      %dma_start3A_269 = tpu.memref_squeeze %dma_start3A_268 : memref<1x1x1024xf32, #tpu.memory_space<hbm>> -> memref<1024xf32, #tpu.memory_space<hbm>>
      %dma_start3A_270 = arith.constant 0 : i32
      %dma_start3A_271 = tpu.memref_slice %arg8[%dma_start3A_261, %dma_start3A_270] : memref<9x1024xf32, #tpu.memory_space<vmem>> -> memref<1x1024xf32, #tpu.memory_space<vmem>>
      %dma_start3A_272 = tpu.memref_squeeze %dma_start3A_271 : memref<1x1024xf32, #tpu.memory_space<vmem>> -> memref<1024xf32, #tpu.memory_space<vmem>>
      tpu.enqueue_dma source(%dma_start3A_272 : memref<1024xf32, #tpu.memory_space<vmem>>) target(%dma_start3A_269 : memref<1024xf32, #tpu.memory_space<hbm>>) target_semaphore(%arg10 : memref<!tpu.dma_semaphore, #tpu.memory_space<semaphore_mem>>)
      %dma_start3A_273 = arith.constant 5 : i32
      %dma_start3A_274 = arith.constant 5 : i32
      %dma_start3A_275 = arith.constant 0 : i32
      %dma_start3A_276 = tpu.memref_slice %arg8[%dma_start3A_273, %dma_start3A_275] : memref<9x1024xf32, #tpu.memory_space<vmem>> -> memref<1x1024xf32, #tpu.memory_space<vmem>>
      %dma_start3A_277 = tpu.memref_squeeze %dma_start3A_276 : memref<1x1024xf32, #tpu.memory_space<vmem>> -> memref<1024xf32, #tpu.memory_space<vmem>>
      %dma_start3A_278 = tpu.memref_slice %arg5[%dma_start3A_274, %select_n3A, %mul3A_43] : memref<9x200x4096xf32, #tpu.memory_space<hbm>> -> memref<1x1x1024xf32, #tpu.memory_space<hbm>>
      %dma_start3A_279 = tpu.memref_squeeze %dma_start3A_278 : memref<1x1x1024xf32, #tpu.memory_space<hbm>> -> memref<1024xf32, #tpu.memory_space<hbm>>
      %dma_start3A_280 = tpu.memref_slice %arg5[%dma_start3A_274, %select_n3A, %mul3A_43] : memref<9x200x4096xf32, #tpu.memory_space<hbm>> -> memref<1x1x1024xf32, #tpu.memory_space<hbm>>
      %dma_start3A_281 = tpu.memref_squeeze %dma_start3A_280 : memref<1x1x1024xf32, #tpu.memory_space<hbm>> -> memref<1024xf32, #tpu.memory_space<hbm>>
      %dma_start3A_282 = arith.constant 0 : i32
      %dma_start3A_283 = tpu.memref_slice %arg8[%dma_start3A_273, %dma_start3A_282] : memref<9x1024xf32, #tpu.memory_space<vmem>> -> memref<1x1024xf32, #tpu.memory_space<vmem>>
      %dma_start3A_284 = tpu.memref_squeeze %dma_start3A_283 : memref<1x1024xf32, #tpu.memory_space<vmem>> -> memref<1024xf32, #tpu.memory_space<vmem>>
      tpu.enqueue_dma source(%dma_start3A_284 : memref<1024xf32, #tpu.memory_space<vmem>>) target(%dma_start3A_281 : memref<1024xf32, #tpu.memory_space<hbm>>) target_semaphore(%arg10 : memref<!tpu.dma_semaphore, #tpu.memory_space<semaphore_mem>>)
      %dma_start3A_285 = arith.constant 6 : i32
      %dma_start3A_286 = arith.constant 6 : i32
      %dma_start3A_287 = arith.constant 0 : i32
      %dma_start3A_288 = tpu.memref_slice %arg8[%dma_start3A_285, %dma_start3A_287] : memref<9x1024xf32, #tpu.memory_space<vmem>> -> memref<1x1024xf32, #tpu.memory_space<vmem>>
      %dma_start3A_289 = tpu.memref_squeeze %dma_start3A_288 : memref<1x1024xf32, #tpu.memory_space<vmem>> -> memref<1024xf32, #tpu.memory_space<vmem>>
      %dma_start3A_290 = tpu.memref_slice %arg5[%dma_start3A_286, %select_n3A, %mul3A_43] : memref<9x200x4096xf32, #tpu.memory_space<hbm>> -> memref<1x1x1024xf32, #tpu.memory_space<hbm>>
      %dma_start3A_291 = tpu.memref_squeeze %dma_start3A_290 : memref<1x1x1024xf32, #tpu.memory_space<hbm>> -> memref<1024xf32, #tpu.memory_space<hbm>>
      %dma_start3A_292 = tpu.memref_slice %arg5[%dma_start3A_286, %select_n3A, %mul3A_43] : memref<9x200x4096xf32, #tpu.memory_space<hbm>> -> memref<1x1x1024xf32, #tpu.memory_space<hbm>>
      %dma_start3A_293 = tpu.memref_squeeze %dma_start3A_292 : memref<1x1x1024xf32, #tpu.memory_space<hbm>> -> memref<1024xf32, #tpu.memory_space<hbm>>
      %dma_start3A_294 = arith.constant 0 : i32
      %dma_start3A_295 = tpu.memref_slice %arg8[%dma_start3A_285, %dma_start3A_294] : memref<9x1024xf32, #tpu.memory_space<vmem>> -> memref<1x1024xf32, #tpu.memory_space<vmem>>
      %dma_start3A_296 = tpu.memref_squeeze %dma_start3A_295 : memref<1x1024xf32, #tpu.memory_space<vmem>> -> memref<1024xf32, #tpu.memory_space<vmem>>
      tpu.enqueue_dma source(%dma_start3A_296 : memref<1024xf32, #tpu.memory_space<vmem>>) target(%dma_start3A_293 : memref<1024xf32, #tpu.memory_space<hbm>>) target_semaphore(%arg10 : memref<!tpu.dma_semaphore, #tpu.memory_space<semaphore_mem>>)
      %dma_start3A_297 = arith.constant 7 : i32
      %dma_start3A_298 = arith.constant 7 : i32
      %dma_start3A_299 = arith.constant 0 : i32
      %dma_start3A_300 = tpu.memref_slice %arg8[%dma_start3A_297, %dma_start3A_299] : memref<9x1024xf32, #tpu.memory_space<vmem>> -> memref<1x1024xf32, #tpu.memory_space<vmem>>
      %dma_start3A_301 = tpu.memref_squeeze %dma_start3A_300 : memref<1x1024xf32, #tpu.memory_space<vmem>> -> memref<1024xf32, #tpu.memory_space<vmem>>
      %dma_start3A_302 = tpu.memref_slice %arg5[%dma_start3A_298, %select_n3A, %mul3A_43] : memref<9x200x4096xf32, #tpu.memory_space<hbm>> -> memref<1x1x1024xf32, #tpu.memory_space<hbm>>
      %dma_start3A_303 = tpu.memref_squeeze %dma_start3A_302 : memref<1x1x1024xf32, #tpu.memory_space<hbm>> -> memref<1024xf32, #tpu.memory_space<hbm>>
      %dma_start3A_304 = tpu.memref_slice %arg5[%dma_start3A_298, %select_n3A, %mul3A_43] : memref<9x200x4096xf32, #tpu.memory_space<hbm>> -> memref<1x1x1024xf32, #tpu.memory_space<hbm>>
      %dma_start3A_305 = tpu.memref_squeeze %dma_start3A_304 : memref<1x1x1024xf32, #tpu.memory_space<hbm>> -> memref<1024xf32, #tpu.memory_space<hbm>>
      %dma_start3A_306 = arith.constant 0 : i32
      %dma_start3A_307 = tpu.memref_slice %arg8[%dma_start3A_297, %dma_start3A_306] : memref<9x1024xf32, #tpu.memory_space<vmem>> -> memref<1x1024xf32, #tpu.memory_space<vmem>>
      %dma_start3A_308 = tpu.memref_squeeze %dma_start3A_307 : memref<1x1024xf32, #tpu.memory_space<vmem>> -> memref<1024xf32, #tpu.memory_space<vmem>>
      tpu.enqueue_dma source(%dma_start3A_308 : memref<1024xf32, #tpu.memory_space<vmem>>) target(%dma_start3A_305 : memref<1024xf32, #tpu.memory_space<hbm>>) target_semaphore(%arg10 : memref<!tpu.dma_semaphore, #tpu.memory_space<semaphore_mem>>)
      %dma_start3A_309 = arith.constant 8 : i32
      %dma_start3A_310 = arith.constant 8 : i32
      %dma_start3A_311 = arith.constant 0 : i32
      %dma_start3A_312 = tpu.memref_slice %arg8[%dma_start3A_309, %dma_start3A_311] : memref<9x1024xf32, #tpu.memory_space<vmem>> -> memref<1x1024xf32, #tpu.memory_space<vmem>>
      %dma_start3A_313 = tpu.memref_squeeze %dma_start3A_312 : memref<1x1024xf32, #tpu.memory_space<vmem>> -> memref<1024xf32, #tpu.memory_space<vmem>>
      %dma_start3A_314 = tpu.memref_slice %arg5[%dma_start3A_310, %select_n3A, %mul3A_43] : memref<9x200x4096xf32, #tpu.memory_space<hbm>> -> memref<1x1x1024xf32, #tpu.memory_space<hbm>>
      %dma_start3A_315 = tpu.memref_squeeze %dma_start3A_314 : memref<1x1x1024xf32, #tpu.memory_space<hbm>> -> memref<1024xf32, #tpu.memory_space<hbm>>
      %dma_start3A_316 = tpu.memref_slice %arg5[%dma_start3A_310, %select_n3A, %mul3A_43] : memref<9x200x4096xf32, #tpu.memory_space<hbm>> -> memref<1x1x1024xf32, #tpu.memory_space<hbm>>
      %dma_start3A_317 = tpu.memref_squeeze %dma_start3A_316 : memref<1x1x1024xf32, #tpu.memory_space<hbm>> -> memref<1024xf32, #tpu.memory_space<hbm>>
      %dma_start3A_318 = arith.constant 0 : i32
      %dma_start3A_319 = tpu.memref_slice %arg8[%dma_start3A_309, %dma_start3A_318] : memref<9x1024xf32, #tpu.memory_space<vmem>> -> memref<1x1024xf32, #tpu.memory_space<vmem>>
      %dma_start3A_320 = tpu.memref_squeeze %dma_start3A_319 : memref<1x1024xf32, #tpu.memory_space<vmem>> -> memref<1024xf32, #tpu.memory_space<vmem>>
      tpu.enqueue_dma source(%dma_start3A_320 : memref<1024xf32, #tpu.memory_space<vmem>>) target(%dma_start3A_317 : memref<1024xf32, #tpu.memory_space<hbm>>) target_semaphore(%arg10 : memref<!tpu.dma_semaphore, #tpu.memory_space<semaphore_mem>>)
      %dma_wait3A_321 = arith.constant 0 : i32
      %dma_wait3A_322 = arith.constant 0 : i32
      %dma_wait3A_323 = arith.constant 0 : i32
      %dma_wait3A_324 = tpu.memref_slice %arg8[%dma_wait3A_321, %dma_wait3A_323] : memref<9x1024xf32, #tpu.memory_space<vmem>> -> memref<1x1024xf32, #tpu.memory_space<vmem>>
      %dma_wait3A_325 = tpu.memref_squeeze %dma_wait3A_324 : memref<1x1024xf32, #tpu.memory_space<vmem>> -> memref<1024xf32, #tpu.memory_space<vmem>>
      %dma_wait3A_326 = tpu.memref_slice %arg5[%dma_wait3A_322, %select_n3A, %mul3A_43] : memref<9x200x4096xf32, #tpu.memory_space<hbm>> -> memref<1x1x1024xf32, #tpu.memory_space<hbm>>
      %dma_wait3A_327 = tpu.memref_squeeze %dma_wait3A_326 : memref<1x1x1024xf32, #tpu.memory_space<hbm>> -> memref<1024xf32, #tpu.memory_space<hbm>>
      %dma_wait3A_328 = tpu.memref_slice %arg5[%dma_wait3A_322, %select_n3A, %mul3A_43] : memref<9x200x4096xf32, #tpu.memory_space<hbm>> -> memref<1x1x1024xf32, #tpu.memory_space<hbm>>
      %dma_wait3A_329 = tpu.memref_squeeze %dma_wait3A_328 : memref<1x1x1024xf32, #tpu.memory_space<hbm>> -> memref<1024xf32, #tpu.memory_space<hbm>>
      %dma_wait3A_330 = arith.constant 0 : i32
      %dma_wait3A_331 = tpu.memref_slice %arg8[%dma_wait3A_321, %dma_wait3A_330] : memref<9x1024xf32, #tpu.memory_space<vmem>> -> memref<1x1024xf32, #tpu.memory_space<vmem>>
      %dma_wait3A_332 = tpu.memref_squeeze %dma_wait3A_331 : memref<1x1024xf32, #tpu.memory_space<vmem>> -> memref<1024xf32, #tpu.memory_space<vmem>>
      tpu.wait_dma2 semaphore(%arg10 : memref<!tpu.dma_semaphore, #tpu.memory_space<semaphore_mem>>) src(%dma_wait3A_332 : memref<1024xf32, #tpu.memory_space<vmem>>) dst(%dma_wait3A_329 : memref<1024xf32, #tpu.memory_space<hbm>>)
      %dma_wait3A_333 = arith.constant 1 : i32
      %dma_wait3A_334 = arith.constant 1 : i32
      %dma_wait3A_335 = arith.constant 0 : i32
      %dma_wait3A_336 = tpu.memref_slice %arg8[%dma_wait3A_333, %dma_wait3A_335] : memref<9x1024xf32, #tpu.memory_space<vmem>> -> memref<1x1024xf32, #tpu.memory_space<vmem>>
      %dma_wait3A_337 = tpu.memref_squeeze %dma_wait3A_336 : memref<1x1024xf32, #tpu.memory_space<vmem>> -> memref<1024xf32, #tpu.memory_space<vmem>>
      %dma_wait3A_338 = tpu.memref_slice %arg5[%dma_wait3A_334, %select_n3A, %mul3A_43] : memref<9x200x4096xf32, #tpu.memory_space<hbm>> -> memref<1x1x1024xf32, #tpu.memory_space<hbm>>
      %dma_wait3A_339 = tpu.memref_squeeze %dma_wait3A_338 : memref<1x1x1024xf32, #tpu.memory_space<hbm>> -> memref<1024xf32, #tpu.memory_space<hbm>>
      %dma_wait3A_340 = tpu.memref_slice %arg5[%dma_wait3A_334, %select_n3A, %mul3A_43] : memref<9x200x4096xf32, #tpu.memory_space<hbm>> -> memref<1x1x1024xf32, #tpu.memory_space<hbm>>
      %dma_wait3A_341 = tpu.memref_squeeze %dma_wait3A_340 : memref<1x1x1024xf32, #tpu.memory_space<hbm>> -> memref<1024xf32, #tpu.memory_space<hbm>>
      %dma_wait3A_342 = arith.constant 0 : i32
      %dma_wait3A_343 = tpu.memref_slice %arg8[%dma_wait3A_333, %dma_wait3A_342] : memref<9x1024xf32, #tpu.memory_space<vmem>> -> memref<1x1024xf32, #tpu.memory_space<vmem>>
      %dma_wait3A_344 = tpu.memref_squeeze %dma_wait3A_343 : memref<1x1024xf32, #tpu.memory_space<vmem>> -> memref<1024xf32, #tpu.memory_space<vmem>>
      tpu.wait_dma2 semaphore(%arg10 : memref<!tpu.dma_semaphore, #tpu.memory_space<semaphore_mem>>) src(%dma_wait3A_344 : memref<1024xf32, #tpu.memory_space<vmem>>) dst(%dma_wait3A_341 : memref<1024xf32, #tpu.memory_space<hbm>>)
      %dma_wait3A_345 = arith.constant 2 : i32
      %dma_wait3A_346 = arith.constant 2 : i32
      %dma_wait3A_347 = arith.constant 0 : i32
      %dma_wait3A_348 = tpu.memref_slice %arg8[%dma_wait3A_345, %dma_wait3A_347] : memref<9x1024xf32, #tpu.memory_space<vmem>> -> memref<1x1024xf32, #tpu.memory_space<vmem>>
      %dma_wait3A_349 = tpu.memref_squeeze %dma_wait3A_348 : memref<1x1024xf32, #tpu.memory_space<vmem>> -> memref<1024xf32, #tpu.memory_space<vmem>>
      %dma_wait3A_350 = tpu.memref_slice %arg5[%dma_wait3A_346, %select_n3A, %mul3A_43] : memref<9x200x4096xf32, #tpu.memory_space<hbm>> -> memref<1x1x1024xf32, #tpu.memory_space<hbm>>
      %dma_wait3A_351 = tpu.memref_squeeze %dma_wait3A_350 : memref<1x1x1024xf32, #tpu.memory_space<hbm>> -> memref<1024xf32, #tpu.memory_space<hbm>>
      %dma_wait3A_352 = tpu.memref_slice %arg5[%dma_wait3A_346, %select_n3A, %mul3A_43] : memref<9x200x4096xf32, #tpu.memory_space<hbm>> -> memref<1x1x1024xf32, #tpu.memory_space<hbm>>
      %dma_wait3A_353 = tpu.memref_squeeze %dma_wait3A_352 : memref<1x1x1024xf32, #tpu.memory_space<hbm>> -> memref<1024xf32, #tpu.memory_space<hbm>>
      %dma_wait3A_354 = arith.constant 0 : i32
      %dma_wait3A_355 = tpu.memref_slice %arg8[%dma_wait3A_345, %dma_wait3A_354] : memref<9x1024xf32, #tpu.memory_space<vmem>> -> memref<1x1024xf32, #tpu.memory_space<vmem>>
      %dma_wait3A_356 = tpu.memref_squeeze %dma_wait3A_355 : memref<1x1024xf32, #tpu.memory_space<vmem>> -> memref<1024xf32, #tpu.memory_space<vmem>>
      tpu.wait_dma2 semaphore(%arg10 : memref<!tpu.dma_semaphore, #tpu.memory_space<semaphore_mem>>) src(%dma_wait3A_356 : memref<1024xf32, #tpu.memory_space<vmem>>) dst(%dma_wait3A_353 : memref<1024xf32, #tpu.memory_space<hbm>>)
      %dma_wait3A_357 = arith.constant 3 : i32
      %dma_wait3A_358 = arith.constant 3 : i32
      %dma_wait3A_359 = arith.constant 0 : i32
      %dma_wait3A_360 = tpu.memref_slice %arg8[%dma_wait3A_357, %dma_wait3A_359] : memref<9x1024xf32, #tpu.memory_space<vmem>> -> memref<1x1024xf32, #tpu.memory_space<vmem>>
      %dma_wait3A_361 = tpu.memref_squeeze %dma_wait3A_360 : memref<1x1024xf32, #tpu.memory_space<vmem>> -> memref<1024xf32, #tpu.memory_space<vmem>>
      %dma_wait3A_362 = tpu.memref_slice %arg5[%dma_wait3A_358, %select_n3A, %mul3A_43] : memref<9x200x4096xf32, #tpu.memory_space<hbm>> -> memref<1x1x1024xf32, #tpu.memory_space<hbm>>
      %dma_wait3A_363 = tpu.memref_squeeze %dma_wait3A_362 : memref<1x1x1024xf32, #tpu.memory_space<hbm>> -> memref<1024xf32, #tpu.memory_space<hbm>>
      %dma_wait3A_364 = tpu.memref_slice %arg5[%dma_wait3A_358, %select_n3A, %mul3A_43] : memref<9x200x4096xf32, #tpu.memory_space<hbm>> -> memref<1x1x1024xf32, #tpu.memory_space<hbm>>
      %dma_wait3A_365 = tpu.memref_squeeze %dma_wait3A_364 : memref<1x1x1024xf32, #tpu.memory_space<hbm>> -> memref<1024xf32, #tpu.memory_space<hbm>>
      %dma_wait3A_366 = arith.constant 0 : i32
      %dma_wait3A_367 = tpu.memref_slice %arg8[%dma_wait3A_357, %dma_wait3A_366] : memref<9x1024xf32, #tpu.memory_space<vmem>> -> memref<1x1024xf32, #tpu.memory_space<vmem>>
      %dma_wait3A_368 = tpu.memref_squeeze %dma_wait3A_367 : memref<1x1024xf32, #tpu.memory_space<vmem>> -> memref<1024xf32, #tpu.memory_space<vmem>>
      tpu.wait_dma2 semaphore(%arg10 : memref<!tpu.dma_semaphore, #tpu.memory_space<semaphore_mem>>) src(%dma_wait3A_368 : memref<1024xf32, #tpu.memory_space<vmem>>) dst(%dma_wait3A_365 : memref<1024xf32, #tpu.memory_space<hbm>>)
      %dma_wait3A_369 = arith.constant 4 : i32
      %dma_wait3A_370 = arith.constant 4 : i32
      %dma_wait3A_371 = arith.constant 0 : i32
      %dma_wait3A_372 = tpu.memref_slice %arg8[%dma_wait3A_369, %dma_wait3A_371] : memref<9x1024xf32, #tpu.memory_space<vmem>> -> memref<1x1024xf32, #tpu.memory_space<vmem>>
      %dma_wait3A_373 = tpu.memref_squeeze %dma_wait3A_372 : memref<1x1024xf32, #tpu.memory_space<vmem>> -> memref<1024xf32, #tpu.memory_space<vmem>>
      %dma_wait3A_374 = tpu.memref_slice %arg5[%dma_wait3A_370, %select_n3A, %mul3A_43] : memref<9x200x4096xf32, #tpu.memory_space<hbm>> -> memref<1x1x1024xf32, #tpu.memory_space<hbm>>
      %dma_wait3A_375 = tpu.memref_squeeze %dma_wait3A_374 : memref<1x1x1024xf32, #tpu.memory_space<hbm>> -> memref<1024xf32, #tpu.memory_space<hbm>>
      %dma_wait3A_376 = tpu.memref_slice %arg5[%dma_wait3A_370, %select_n3A, %mul3A_43] : memref<9x200x4096xf32, #tpu.memory_space<hbm>> -> memref<1x1x1024xf32, #tpu.memory_space<hbm>>
      %dma_wait3A_377 = tpu.memref_squeeze %dma_wait3A_376 : memref<1x1x1024xf32, #tpu.memory_space<hbm>> -> memref<1024xf32, #tpu.memory_space<hbm>>
      %dma_wait3A_378 = arith.constant 0 : i32
      %dma_wait3A_379 = tpu.memref_slice %arg8[%dma_wait3A_369, %dma_wait3A_378] : memref<9x1024xf32, #tpu.memory_space<vmem>> -> memref<1x1024xf32, #tpu.memory_space<vmem>>
      %dma_wait3A_380 = tpu.memref_squeeze %dma_wait3A_379 : memref<1x1024xf32, #tpu.memory_space<vmem>> -> memref<1024xf32, #tpu.memory_space<vmem>>
      tpu.wait_dma2 semaphore(%arg10 : memref<!tpu.dma_semaphore, #tpu.memory_space<semaphore_mem>>) src(%dma_wait3A_380 : memref<1024xf32, #tpu.memory_space<vmem>>) dst(%dma_wait3A_377 : memref<1024xf32, #tpu.memory_space<hbm>>)
      %dma_wait3A_381 = arith.constant 5 : i32
      %dma_wait3A_382 = arith.constant 5 : i32
      %dma_wait3A_383 = arith.constant 0 : i32
      %dma_wait3A_384 = tpu.memref_slice %arg8[%dma_wait3A_381, %dma_wait3A_383] : memref<9x1024xf32, #tpu.memory_space<vmem>> -> memref<1x1024xf32, #tpu.memory_space<vmem>>
      %dma_wait3A_385 = tpu.memref_squeeze %dma_wait3A_384 : memref<1x1024xf32, #tpu.memory_space<vmem>> -> memref<1024xf32, #tpu.memory_space<vmem>>
      %dma_wait3A_386 = tpu.memref_slice %arg5[%dma_wait3A_382, %select_n3A, %mul3A_43] : memref<9x200x4096xf32, #tpu.memory_space<hbm>> -> memref<1x1x1024xf32, #tpu.memory_space<hbm>>
      %dma_wait3A_387 = tpu.memref_squeeze %dma_wait3A_386 : memref<1x1x1024xf32, #tpu.memory_space<hbm>> -> memref<1024xf32, #tpu.memory_space<hbm>>
      %dma_wait3A_388 = tpu.memref_slice %arg5[%dma_wait3A_382, %select_n3A, %mul3A_43] : memref<9x200x4096xf32, #tpu.memory_space<hbm>> -> memref<1x1x1024xf32, #tpu.memory_space<hbm>>
      %dma_wait3A_389 = tpu.memref_squeeze %dma_wait3A_388 : memref<1x1x1024xf32, #tpu.memory_space<hbm>> -> memref<1024xf32, #tpu.memory_space<hbm>>
      %dma_wait3A_390 = arith.constant 0 : i32
      %dma_wait3A_391 = tpu.memref_slice %arg8[%dma_wait3A_381, %dma_wait3A_390] : memref<9x1024xf32, #tpu.memory_space<vmem>> -> memref<1x1024xf32, #tpu.memory_space<vmem>>
      %dma_wait3A_392 = tpu.memref_squeeze %dma_wait3A_391 : memref<1x1024xf32, #tpu.memory_space<vmem>> -> memref<1024xf32, #tpu.memory_space<vmem>>
      tpu.wait_dma2 semaphore(%arg10 : memref<!tpu.dma_semaphore, #tpu.memory_space<semaphore_mem>>) src(%dma_wait3A_392 : memref<1024xf32, #tpu.memory_space<vmem>>) dst(%dma_wait3A_389 : memref<1024xf32, #tpu.memory_space<hbm>>)
      %dma_wait3A_393 = arith.constant 6 : i32
      %dma_wait3A_394 = arith.constant 6 : i32
      %dma_wait3A_395 = arith.constant 0 : i32
      %dma_wait3A_396 = tpu.memref_slice %arg8[%dma_wait3A_393, %dma_wait3A_395] : memref<9x1024xf32, #tpu.memory_space<vmem>> -> memref<1x1024xf32, #tpu.memory_space<vmem>>
      %dma_wait3A_397 = tpu.memref_squeeze %dma_wait3A_396 : memref<1x1024xf32, #tpu.memory_space<vmem>> -> memref<1024xf32, #tpu.memory_space<vmem>>
      %dma_wait3A_398 = tpu.memref_slice %arg5[%dma_wait3A_394, %select_n3A, %mul3A_43] : memref<9x200x4096xf32, #tpu.memory_space<hbm>> -> memref<1x1x1024xf32, #tpu.memory_space<hbm>>
      %dma_wait3A_399 = tpu.memref_squeeze %dma_wait3A_398 : memref<1x1x1024xf32, #tpu.memory_space<hbm>> -> memref<1024xf32, #tpu.memory_space<hbm>>
      %dma_wait3A_400 = tpu.memref_slice %arg5[%dma_wait3A_394, %select_n3A, %mul3A_43] : memref<9x200x4096xf32, #tpu.memory_space<hbm>> -> memref<1x1x1024xf32, #tpu.memory_space<hbm>>
      %dma_wait3A_401 = tpu.memref_squeeze %dma_wait3A_400 : memref<1x1x1024xf32, #tpu.memory_space<hbm>> -> memref<1024xf32, #tpu.memory_space<hbm>>
      %dma_wait3A_402 = arith.constant 0 : i32
      %dma_wait3A_403 = tpu.memref_slice %arg8[%dma_wait3A_393, %dma_wait3A_402] : memref<9x1024xf32, #tpu.memory_space<vmem>> -> memref<1x1024xf32, #tpu.memory_space<vmem>>
      %dma_wait3A_404 = tpu.memref_squeeze %dma_wait3A_403 : memref<1x1024xf32, #tpu.memory_space<vmem>> -> memref<1024xf32, #tpu.memory_space<vmem>>
      tpu.wait_dma2 semaphore(%arg10 : memref<!tpu.dma_semaphore, #tpu.memory_space<semaphore_mem>>) src(%dma_wait3A_404 : memref<1024xf32, #tpu.memory_space<vmem>>) dst(%dma_wait3A_401 : memref<1024xf32, #tpu.memory_space<hbm>>)
      %dma_wait3A_405 = arith.constant 7 : i32
      %dma_wait3A_406 = arith.constant 7 : i32
      %dma_wait3A_407 = arith.constant 0 : i32
      %dma_wait3A_408 = tpu.memref_slice %arg8[%dma_wait3A_405, %dma_wait3A_407] : memref<9x1024xf32, #tpu.memory_space<vmem>> -> memref<1x1024xf32, #tpu.memory_space<vmem>>
      %dma_wait3A_409 = tpu.memref_squeeze %dma_wait3A_408 : memref<1x1024xf32, #tpu.memory_space<vmem>> -> memref<1024xf32, #tpu.memory_space<vmem>>
      %dma_wait3A_410 = tpu.memref_slice %arg5[%dma_wait3A_406, %select_n3A, %mul3A_43] : memref<9x200x4096xf32, #tpu.memory_space<hbm>> -> memref<1x1x1024xf32, #tpu.memory_space<hbm>>
      %dma_wait3A_411 = tpu.memref_squeeze %dma_wait3A_410 : memref<1x1x1024xf32, #tpu.memory_space<hbm>> -> memref<1024xf32, #tpu.memory_space<hbm>>
      %dma_wait3A_412 = tpu.memref_slice %arg5[%dma_wait3A_406, %select_n3A, %mul3A_43] : memref<9x200x4096xf32, #tpu.memory_space<hbm>> -> memref<1x1x1024xf32, #tpu.memory_space<hbm>>
      %dma_wait3A_413 = tpu.memref_squeeze %dma_wait3A_412 : memref<1x1x1024xf32, #tpu.memory_space<hbm>> -> memref<1024xf32, #tpu.memory_space<hbm>>
      %dma_wait3A_414 = arith.constant 0 : i32
      %dma_wait3A_415 = tpu.memref_slice %arg8[%dma_wait3A_405, %dma_wait3A_414] : memref<9x1024xf32, #tpu.memory_space<vmem>> -> memref<1x1024xf32, #tpu.memory_space<vmem>>
      %dma_wait3A_416 = tpu.memref_squeeze %dma_wait3A_415 : memref<1x1024xf32, #tpu.memory_space<vmem>> -> memref<1024xf32, #tpu.memory_space<vmem>>
      tpu.wait_dma2 semaphore(%arg10 : memref<!tpu.dma_semaphore, #tpu.memory_space<semaphore_mem>>) src(%dma_wait3A_416 : memref<1024xf32, #tpu.memory_space<vmem>>) dst(%dma_wait3A_413 : memref<1024xf32, #tpu.memory_space<hbm>>)
      %dma_wait3A_417 = arith.constant 8 : i32
      %dma_wait3A_418 = arith.constant 8 : i32
      %dma_wait3A_419 = arith.constant 0 : i32
      %dma_wait3A_420 = tpu.memref_slice %arg8[%dma_wait3A_417, %dma_wait3A_419] : memref<9x1024xf32, #tpu.memory_space<vmem>> -> memref<1x1024xf32, #tpu.memory_space<vmem>>
      %dma_wait3A_421 = tpu.memref_squeeze %dma_wait3A_420 : memref<1x1024xf32, #tpu.memory_space<vmem>> -> memref<1024xf32, #tpu.memory_space<vmem>>
      %dma_wait3A_422 = tpu.memref_slice %arg5[%dma_wait3A_418, %select_n3A, %mul3A_43] : memref<9x200x4096xf32, #tpu.memory_space<hbm>> -> memref<1x1x1024xf32, #tpu.memory_space<hbm>>
      %dma_wait3A_423 = tpu.memref_squeeze %dma_wait3A_422 : memref<1x1x1024xf32, #tpu.memory_space<hbm>> -> memref<1024xf32, #tpu.memory_space<hbm>>
      %dma_wait3A_424 = tpu.memref_slice %arg5[%dma_wait3A_418, %select_n3A, %mul3A_43] : memref<9x200x4096xf32, #tpu.memory_space<hbm>> -> memref<1x1x1024xf32, #tpu.memory_space<hbm>>
      %dma_wait3A_425 = tpu.memref_squeeze %dma_wait3A_424 : memref<1x1x1024xf32, #tpu.memory_space<hbm>> -> memref<1024xf32, #tpu.memory_space<hbm>>
      %dma_wait3A_426 = arith.constant 0 : i32
      %dma_wait3A_427 = tpu.memref_slice %arg8[%dma_wait3A_417, %dma_wait3A_426] : memref<9x1024xf32, #tpu.memory_space<vmem>> -> memref<1x1024xf32, #tpu.memory_space<vmem>>
      %dma_wait3A_428 = tpu.memref_squeeze %dma_wait3A_427 : memref<1x1024xf32, #tpu.memory_space<vmem>> -> memref<1024xf32, #tpu.memory_space<vmem>>
      tpu.wait_dma2 semaphore(%arg10 : memref<!tpu.dma_semaphore, #tpu.memory_space<semaphore_mem>>) src(%dma_wait3A_428 : memref<1024xf32, #tpu.memory_space<vmem>>) dst(%dma_wait3A_425 : memref<1024xf32, #tpu.memory_space<hbm>>)
      %scan3A_429 = arith.constant 0 : i32
      scf.yield %scan3A_429 : i32
    }
    %scan3A_6 = arith.constant 25 : i32
    return
  }
}

</mosaic_0001>

<sc_bundles>
// kernel: _harmonic_embed.3.cloned.1.call-start
scs
__scs_entry_jumppad:
0x0: {  	(pc) =	sbr.rel $0x88, $3  }
0x1: {  	(tag) =	ssettag $0x0;
	lr =	simm.s32 $0x1  }
0x2: {  	[smem:$0x3F9E] =	sst lr;
	_ =	strace $0xD0000000  }
0x3: {  	_ = 	snop  }
0x4: {  	_ = 	snop  }
0x5: {  	_ = 	snop  }
0x6: {  	_ = 	snop  }
0x7: {  	_ = 	snop  }
__scs_overlays_trampoline_lowered:
0x8: {  	[smem:$0x3FAD] =	sst s0  }
0x9: {  	[smem:$0x3FAE] =	sst s1  }
0xa: {  	[smem:$0x3FAF] =	sst s2  }
0xb: {  	[smem:$0x3FB0] =	sst s3  }
0xc: {  	[smem:$0x3FB1] =	sst s4  }
0xd: {  	[smem:$0x3FB2] =	sst s5  }
0xe: {  	[smem:$0x3FB3] =	sst s6  }
0xf: {  	[smem:$0x3FB4] =	sst s7  }
0x10: {  	[smem:$0x3FB5] =	sst s8  }
0x11: {  	[smem:$0x3FB6] =	sst s9;
	s0 =	simm.s32 @!p0 $0x0  }
0x12: {  	s1 =	sld [smem:$0x3F9C];
	s0 =	simm.s32 @p0 $0x1  }
0x13: {  	[smem:$0x3FB7] =	sst s0;
	s0 =	simm.s32 @!p1 $0x0  }
0x14: {  	s2 =	sld [smem:$0x3F9B];
	s0 =	simm.s32 @p1 $0x1  }
0x15: {  	[smem:$0x3FB8] =	sst s0;
	s0 =	simm.s32 @!p2 $0x0  }
0x16: {  	s3 =	sld [smem:$0x3FDB];
	s0 =	simm.s32 @p2 $0x1  }
0x17: {  	s4 =	simm.s32 $0x1BF5;
	[smem:$0x3FBA] =	sst s0  }
0x18: {  	s0 =	sld [smem:$0x3F9D];
	_ =	swait.ge [sflag:s4], $0x0  }
0x19: {  	s7 =	sld [smem:$0x3F9E]  }
0x1a: {  	s8 =	sadd.s32 $0xFFFFE003, lr  }
0x1b: {  	s9 =	sadd.s32 $0xFFFFFEF7, lr;
	s5 =	simm.s32 $0xFFFFFFFF;
	p2 =	slt.u32 s8, $0xFFFFF086  }
0x1c: {  	p1 =	slt.u32 s9, $0xF7A;
	s5 =	simm.s32 @!p2 $0x0  }
0x1d: {  	s5 =	simm.s32 @p1 $0x1;
	p0 =	seq.s32 s7, s2  }
0x1e: {  	s7 =	smul.u32 @!p0 $0xF7A, s2;
	p2 =	seq.s32 @!p0 s5, $0x0  }
0x1f: {  	s9 =	smul.u32 $0xF7A, s1;
	s8 =	simm.s32 @!p0 $0x1BF5;
	p2 =	por !p2, p0  }
0x20: {  	[sflag:s8] =	ssyncset.s32 @!p0 $0xFFFFF086;
	s6 =	sadd.s32 @!p0 s3, s7;
	s7 =	simm.s32 @!p0 $0x108  }
0x21: {  	s3 =	sadd.s32 s3, s9;
	s6 =	sadd.s32 @!p0 $0x88, s6;
	s7 =	simm.s32 @p2 $0x1082  }
0x22: {  	[simem:s7], [sflag:s8] =	dma.local @!p0 [hbm:s6], $0xF7A  }
0x23: {  	s9 =	sor.u32 $0xD0000000, s2;
	s6 =	simm.s32 $0x108;
	_ =	swait.ge @!p0 [sflag:s8], $0x0  }
0x24: {  	s3 =	sadd.s32 $0x88, s3;
	s6 =	simm.s32 @!p1 $0x1082;
	[sflag:s4] =	ssyncset.s32 $0xFFFFF086  }
0x25: {  	[simem:s6], [sflag:s4] =	dma.local [hbm:s3], $0xF7A  }
0x26: {  	[smem:$0x3F9E] =	sst s1;
	(tag) =	ssettag s2;
	_ =	strace s9  }
0x27: {  	s1 =	sld [smem:$0x3FAE]  }
0x28: {  	s2 =	sld [smem:$0x3FAF]  }
0x29: {  	s4 =	sld [smem:$0x3FB1]  }
0x2a: {  	p0 =	seq.s32 s5, $0x0;
	s5 =	sld [smem:$0x3FB2]  }
0x2b: {  	s6 =	sld [smem:$0x3FB3]  }
0x2c: {  	s7 =	sld [smem:$0x3FB4]  }
0x2d: {  	s3 =	simm.s32 $0x108;
	s8 =	sld [smem:$0x3FB5]  }
0x2e: {  	s3 =	simm.s32 @!p0 $0x1082;
	s9 =	sld [smem:$0x3FB6]  }
0x2f: {  	lr =	sadd.s32 s0, s3;
	s0 =	sld [smem:$0x3FAD]  }
0x30: {  	s3 =	sld [smem:$0x3FB0]  }
0x31: {  	[smem:$0x3FB9] =	sst s10  }
0x32: {  	s10 =	sld [smem:$0x3FB7];
	_ =	sdelay $0x3  }
0x33: {  	p0 =	seq.s32 s10, $0x1;
	s10 =	sld [smem:$0x3FB9];
	_ =	sdelay $0x3  }
0x34: {  	[smem:$0x3FB9] =	sst s10  }
0x35: {  	s10 =	sld [smem:$0x3FB8];
	_ =	sdelay $0x3  }
0x36: {  	p1 =	seq.s32 s10, $0x1;
	s10 =	sld [smem:$0x3FB9];
	_ =	sdelay $0x3  }
0x37: {  	[smem:$0x3FB9] =	sst s10  }
0x38: {  	s10 =	sld [smem:$0x3FBA]  }
0x39: {  	_ = 	snop;
	(pc) =	sbr.ind lr, $3  }
0x3a: {  	_ = 	snop  }
0x3b: {  	_ = 	snop  }
0x3c: {  	p2 =	seq.s32 s10, $0x1;
	s10 =	sld [smem:$0x3FB9]  }
0x3d: {  	_ =	shalt  }
0x3e: {  	_ =	shalt  }
0x3f: {  	_ =	shalt  }
0x40: {  	_ =	shalt  }
0x41: {  	_ =	shalt  }
0x42: {  	_ =	shalt  }
0x43: {  	_ =	shalt  }
0x44: {  	_ =	shalt  }
0x45: {  	_ =	shalt  }
0x46: {  	_ =	shalt  }
0x47: {  	_ =	shalt  }
0x48: {  	_ =	shalt  }
0x49: {  	_ =	shalt  }
0x4a: {  	_ =	shalt  }
0x4b: {  	_ =	shalt  }
0x4c: {  	_ =	shalt  }
0x4d: {  	_ =	shalt  }
0x4e: {  	_ =	shalt  }
0x4f: {  	_ =	shalt  }
0x50: {  	_ =	shalt  }
0x51: {  	_ =	shalt  }
0x52: {  	_ =	shalt  }
0x53: {  	_ =	shalt  }
0x54: {  	_ =	shalt  }
0x55: {  	_ =	shalt  }
0x56: {  	_ =	shalt  }
0x57: {  	_ =	shalt  }
0x58: {  	_ =	shalt  }
0x59: {  	_ =	shalt  }
0x5a: {  	_ =	shalt  }
0x5b: {  	_ =	shalt  }
0x5c: {  	_ =	shalt  }
0x5d: {  	_ =	shalt  }
0x5e: {  	_ =	shalt  }
0x5f: {  	_ =	shalt  }
0x60: {  	_ =	shalt  }
0x61: {  	_ =	shalt  }
0x62: {  	_ =	shalt  }
0x63: {  	_ =	shalt  }
0x64: {  	_ =	shalt  }
0x65: {  	_ =	shalt  }
0x66: {  	_ =	shalt  }
0x67: {  	_ =	shalt  }
0x68: {  	_ =	shalt  }
0x69: {  	_ =	shalt  }
0x6a: {  	_ =	shalt  }
0x6b: {  	_ =	shalt  }
0x6c: {  	_ =	shalt  }
0x6d: {  	_ =	shalt  }
0x6e: {  	_ =	shalt  }
0x6f: {  	_ =	shalt  }
0x70: {  	_ =	shalt  }
0x71: {  	_ =	shalt  }
0x72: {  	_ =	shalt  }
0x73: {  	_ =	shalt  }
0x74: {  	_ =	shalt  }
0x75: {  	_ =	shalt  }
0x76: {  	_ =	shalt  }
0x77: {  	_ =	shalt  }
0x78: {  	_ =	shalt  }
0x79: {  	_ =	shalt  }
0x7a: {  	_ =	shalt  }
0x7b: {  	_ =	shalt  }
0x7c: {  	_ =	shalt  }
0x7d: {  	_ =	shalt  }
0x7e: {  	_ =	shalt  }
0x7f: {  	_ =	shalt  }
0x80: {  	_ =	shalt  }
0x81: {  	_ =	shalt  }
0x82: {  	_ =	shalt  }
0x83: {  	_ =	shalt  }
0x84: {  	_ =	shalt  }
0x85: {  	_ =	shalt  }
0x86: {  	_ =	shalt  }
0x87: {  	_ =	shalt  }
.Lfunc_end0:
.L_simem_size_0:
called_computation_lowered:
.L_overlay_start_0:
0x88: {  	s2 =	sld [smem:$0x3FD9]  }
0x89: {  	s3 =	sld [smem:$0x3FFE];
	_ =	sdelay $0x1  }
0x8a: {  	s1 =	srdreg.scid  }
0x8b: {  	s0 =	sand.u32 $0x1, s1  }
0x8c: {  	s17 =	sshll.u32 s0, $0xA;
	s2 =	sadd.s32 s3, s2  }
0x8d: {  	s2 =	sadd.s32 s2, s17  }
0x8e: {  	[smem:$0x3FC5] =	sst s2  }
0x8f: {  	_ = 	snop  }
0x90: {  	s2 =	sld [smem:$0x3FC9]  }
0x91: {  	s18 =	sld [smem:$0x3FD0];
	(tm) =	ssettm $0x1  }
0x92: {  	s4 =	sld [smem:$0x3FFB];
	_ =	sdelay $0x3  }
0x93: {  	_ =	strace s4  }
0x94: {  	s4 =	sld [smem:$0x3FFC];
	_ =	sdelay $0x3  }
0x95: {  	_ =	strace s4  }
0x96: {  	s4 =	sld [smem:$0x3FFD];
	_ =	sdelay $0x3  }
0x97: {  	_ =	strace s4  }
0x98: {  	_ =	strace $0x8FFFFFFF  }
0x99: {  	s19 =	sld [smem:$0x3FDB];
	_ =	sdelay $0x1  }
0x9a: {  	s5 =	simm.s32 $_scs_section_size  }
0x9b: {  	s6 =	simm.s32 $_size__tile_overlayer_lowered;
	s7 =	simm.s32 $_tile_overlayer_lowered  }
0x9c: {  	s22 =	simm.s32 $0x1BFF;
	s21 =	sshll.u32 s7, $0x1;
	s4 =	sadd.s32 s5, s19  }
0x9d: {  	s8 =	simm.s32 $0x0;
	s20 =	sshll.u32 s6, $0x1;
	s6 =	sadd.s32 s21, s4  }
0x9e: {  	[timem:s8], [sflag:s22] =	dma.local [hbm:s6], s20  }
0x9f: {  	_ =	swait.ge [sflag:s22], s20  }
0xa0: {  	s5 =	ssub.s32 $0x0, s20;
	[sflag:s22] =	ssyncset.done $0x0  }
0xa1: {  	[sflag:s22] =	ssyncadd.s32 s5;
	_ =	sdelay $0x1  }
0xa2: {  	s23 =	simm.s32 $0x1B8B  }
0xa3: {  	_ =	swait.ge [sflag:s23], $0x1  }
0xa4: {  	[sflag:s23] =	ssyncset.done $0x0  }
0xa5: {  	s25 =	simm.s32 $0x1B8E;
	s24 =	sld [smem:$0x3FFE];
	[sflag:s23] =	ssyncadd.s32 $0xFFFFFFFF  }
0xa6: {  	s26 =	simm.s32 $execute0_lowered;
	[smem:$0x3FD2] =	sst s25  }
0xa7: {  	s6 =	sshll.u32 s26, $0x1;
	_ =	strace $0x80000046;
	[dreg:$0x1] =	wrdreg $0xFFFFFFFF  }
0xa8: {  	s28 =	simm.s32 $_size_execute0_lowered;
	s4 =	sadd.s32 s4, s6;
	[dreg:$0x0] =	wrdreg $0x0  }
0xa9: {  	s6 =	sshll.u32 s28, $0x1;
	[dreg:$0x2] =	wrdreg s4  }
0xaa: {  	[dreg:$0x3] =	wrdreg s6  }
0xab: {  	[dreg:$0x4] =	wrdreg $0xC0  }
0xac: {  	_ =	task [dreg:s8], $0x5FFFF  }
0xad: {  	[dreg:$0x1] =	wrdreg $0xFFFFFFFF  }
0xae: {  	[dreg:$0x0] =	wrdreg $0x60  }
0xaf: {  	[dreg:$0x2] =	wrdreg s2  }
0xb0: {  	[dreg:$0x3] =	wrdreg s24  }
0xb1: {  	[dreg:$0x4] =	wrdreg s18  }
0xb2: {  	[dreg:$0x5] =	wrdreg $0x9  }
0xb3: {  	_ =	task.clear_ibuf [dreg:s8], $0x6FFFF;
	_ =	strace $0x90000046  }
0xb4: {  	s29 =	simm.s32 $0x9;
	_ =	strace $0x80000048  }
0xb5: {  	_ =	swait.ge [sflag:s29], $0x1  }
0xb6: {  	[sflag:s29] =	ssyncadd.s32 $0xFFFFFFFF  }
0xb7: {  	_ =	strace $0x90000048  }
0xb8: {  	_ =	sfence  }
0xb9: {  	s30 =	sld [smem:$0x0];
	_ =	sdelay $0x2  }
0xba: {  	s31 =	sshll.u32 s1, $0xD;
	s1 =	sshrl.u32 s1, $0x2  }
0xbb: {  	s3 =	sand.u32 $0x4000, s31;
	s1 =	sadd.s32 s1, s30  }
0xbc: {  	s0 =	sor.u32 s3, s0;
	s1 =	sshll.u32 s1, $0x11  }
0xbd: {  	s0 =	sor.u32 s1, s0  }
0xbe: {  	s0 =	sadd.s32 $0x8F2B, s0  }
0xbf: {  	[sflag:s0] =	ssyncadd.remote.s32 $0x1  }
0xc0: {  	_ =	sfence.sel $0xFFFF  }
0xc1: {  	[dreg:$0x0] =	wrdreg $0xFFFFFFFF;
	(pc) =	sbr.abs _section_cstart, $3  }
0xc2: {  	[dreg:$0x1] =	wrdreg $0xFFFFFFFF  }
0xc3: {  	_ =	task.clear_ibuf [dreg:s8], $0x2FFFF;
	_ =	strace $0x9FFFFFFF  }
0xc4: {  	(tm) =	ssettm $0x7FFFFFFF  }
0xc5: {  	_ =	shalt  }
tec
execute0_lowered:
.L_overlay_start_1:
0x0: {  	(tag) =	ssettag $0x1  }
0x1: {  	s0 =	rddreg [dreg:$0x1]  }
0x2: {  	s3 =	simm.s32 $0x0;
	s1 =	srdreg.scid;
	s6 =	stileid.u32  }
0x3: {  	s10 =	simm.s32 $0x2;
	s11 =	simm.s32 $0x80;
	s12 =	simm.s32 $0x400  }
0x4: {  	s17 =	simm.s32 $0x1C00;
	s18 =	simm.s32 $0x200;
	s19 =	simm.s32 $0x2400  }
0x5: {  	s20 =	simm.s32 $0x280;
	s21 =	simm.s32 $0x2C00;
	s22 =	simm.s32 $0x300  }
0x6: {  	s23 =	simm.s32 $0x3400;
	s24 =	simm.s32 $0x380;
	s25 =	simm.s32 $0x3C00  }
0x7: {  	s28 =	simm.s32 $0x4400;
	s29 =	simm.s32 $0x4800;
	s30 =	simm.s32 $0x4C00  }
0x8: {  	s31 =	simm.s32 $0x5000;
	s9 =	simm.s32 $0x6000;
	s8 =	simm.s32 $0x6400  }
0x9: {  	s13 =	simm.s32 $0x0;
	[smem:$0x7FF] =	sst s3;
	s1 =	sand.u32 $0x1, s1  }
0xa: {  	s5 =	sadd.s32 $0xF42A00, s0;
	s7 =	sshll.u32 s6, $0x1;
	s2 =	ssub.s32 $0x2, s1  }
0xb: {  	s6 =	sadd.s32 $0x600, s0;
	s1 =	sor.u32 s1, s7;
	s4 =	sshrl.u32 s2, $0x1  }
0xc: {  	_ =	strace $0x80000047;
	s7 =	smul.u32 $0x19, s1;
	s26 =	ssub.s32 s2, s4  }
0xd: {  	v0 =	vlaneseq.u32;
	s4 =	simm.s32 $0x5800;
	s2 =	simm.s32 $0x5C00;
	s0 =	smax.u32 s26, $0x1  }
0xe: {  	v0 =	vmul.u32 $0x10, v0;
	s26 =	simm.s32 $0x1;
	[dreg:$0x4] =	wrdreg s0;
	s0 =	simm.s32 $0x5400  }
.LBB2_1:
0xf: {  	[dreg:$0x5] =	wrdreg s13  }
0x10: {  	s1 =	rddreg [dreg:$0x2];
	s16 =	simm.s32 $0x6800  }
0x11: {  	[tilespmem:s16], [sflag:$0x2] =	stream.linear.gather [hbm4b:s1+s3], $0xC80, $0x38;
	[tilespmem:$0x7480] =	vst v63  }
0x12: {  	_ =	swait.ge [sflag:s10], $0xC80  }
0x13: {  	[sflag:s10] =	ssyncset.done $0x0  }
0x14: {  	s1 =	simm.s32 $0x0;
	[sflag:s10] =	ssyncadd.s32 $0xFFFFF380  }
.LBB2_2:
0x15: {  	s13 =	sadd.s32 s7, s1  }
0x16: {  	s15 =	rddreg [dreg:$0x0];
	s14 =	sshll.u32 s13, $0x7  }
0x17: {  	s14 =	sadd.s32 s15, s14;
	s15 =	simm.s32 $0x0  }
0x18: {  	[tilespmem:s15], [sflag:$0x2] =	stream.linear.gather [hbm4b:s14+s15], $0x400, $0x38;
	[tilespmem:$0x7480] =	vst v63  }
0x19: {  	_ =	swait.ge [sflag:s10], $0x400  }
0x1a: {  	[sflag:s10] =	ssyncset.done $0x0  }
0x1b: {  	[sflag:s10] =	ssyncadd.s32 $0xFFFFFC00  }
0x1c: {  	[tilespmem:s12], [sflag:$0x1] =	stream.indirect.gather [hbm4b:s5+s11], $0x10, s15, s11, $0xb8;
	[tilespmem:$0x7480] =	vst v63  }
0x1d: {  	s16 =	simm.s32 $0xC00  }
0x1e: {  	[tilespmem:s16], [sflag:$0x1] =	stream.indirect.gather [hbm4b:s5+s11], $0x10, s11, s11, $0xb8;
	[tilespmem:$0x7480] =	vst v63  }
0x1f: {  	s14 =	simm.s32 $0x100;
	s16 =	simm.s32 $0x1400  }
0x20: {  	[tilespmem:s16], [sflag:$0x1] =	stream.indirect.gather [hbm4b:s5+s11], $0x10, s14, s11, $0xb8;
	[tilespmem:$0x7480] =	vst v63  }
0x21: {  	s16 =	simm.s32 $0x180  }
0x22: {  	[tilespmem:s17], [sflag:$0x1] =	stream.indirect.gather [hbm4b:s5+s11], $0x10, s16, s11, $0xb8;
	[tilespmem:$0x7480] =	vst v63  }
0x23: {  	_ = 	snop  }
0x24: {  	[tilespmem:s19], [sflag:$0x1] =	stream.indirect.gather [hbm4b:s5+s11], $0x10, s18, s11, $0xb8;
	[tilespmem:$0x7480] =	vst v63  }
0x25: {  	_ = 	snop  }
0x26: {  	[tilespmem:s21], [sflag:$0x1] =	stream.indirect.gather [hbm4b:s5+s11], $0x10, s20, s11, $0xb8;
	[tilespmem:$0x7480] =	vst v63  }
0x27: {  	_ = 	snop  }
0x28: {  	[tilespmem:s23], [sflag:$0x1] =	stream.indirect.gather [hbm4b:s5+s11], $0x10, s22, s11, $0xb8;
	[tilespmem:$0x7480] =	vst v63  }
0x29: {  	_ = 	snop  }
0x2a: {  	[tilespmem:s25], [sflag:$0x1] =	stream.indirect.gather [hbm4b:s5+s11], $0x10, s24, s11, $0xb8;
	[tilespmem:$0x7480] =	vst v63  }
0x2b: {  	_ =	swait.ge [sflag:s26], $0x800  }
0x2c: {  	[sflag:s26] =	ssyncset.done $0x0  }
0x2d: {  	[sflag:s26] =	ssyncadd.s32 $0xFFFFF800  }
0x2e: {  	_ =	swait.ge [sflag:s26], $0x800  }
0x2f: {  	[sflag:s26] =	ssyncset.done $0x0  }
0x30: {  	[sflag:s26] =	ssyncadd.s32 $0xFFFFF800  }
0x31: {  	_ =	swait.ge [sflag:s26], $0x800  }
0x32: {  	[sflag:s26] =	ssyncset.done $0x0  }
0x33: {  	[sflag:s26] =	ssyncadd.s32 $0xFFFFF800  }
0x34: {  	_ =	swait.ge [sflag:s26], $0x800  }
0x35: {  	[sflag:s26] =	ssyncset.done $0x0  }
0x36: {  	[sflag:s26] =	ssyncadd.s32 $0xFFFFF800  }
0x37: {  	_ =	swait.ge [sflag:s26], $0x800  }
0x38: {  	[sflag:s26] =	ssyncset.done $0x0  }
0x39: {  	[sflag:s26] =	ssyncadd.s32 $0xFFFFF800  }
0x3a: {  	_ =	swait.ge [sflag:s26], $0x800  }
0x3b: {  	[sflag:s26] =	ssyncset.done $0x0  }
0x3c: {  	[sflag:s26] =	ssyncadd.s32 $0xFFFFF800  }
0x3d: {  	v1 =	vmov s15;
	_ =	swait.ge [sflag:s26], $0x800  }
0x3e: {  	v1 =	vshll.u32 v1, $0x4;
	[sflag:s26] =	ssyncset.done $0x0  }
0x3f: {  	v2 =	vor.u32 v0, v1;
	[sflag:s26] =	ssyncadd.s32 $0xFFFFF800  }
0x40: {  	_ =	swait.ge [sflag:s26], $0x800  }
0x41: {  	s16 =	sshll.u32 s13, $0x2;
	[sflag:s26] =	ssyncset.done $0x0  }
0x42: {  	s14 =	sand.u32 $0x3FFFFFF0, s16;
	[sflag:s26] =	ssyncadd.s32 $0xFFFFF800  }
0x43: {  	v1 =	vld [tilespmem:s14+$0x6800]  }
0x44: {  	v3 =	vld.idx.msk [tilespmem:v2+s12+$0x0], $0xffff;
	_ =	sdelay $0x2  }
0x45: {  	v4 =	vor.u32 $0x1, v2;
	_ =	sdelay $0x1  }
0x46: {  	v3 =	vadd.f32 v3, v1  }
0x47: {  	s15 =	simm.s32 $0x5400  }
0x48: {  	[tilespmem:s15+$0xFFFFF000] =	vst v3  }
0x49: {  	v3 =	vld.idx.msk [tilespmem:v4+s12+$0x0], $0xffff;
	_ =	sdelay $0x2  }
0x4a: {  	v4 =	vor.u32 $0x2, v2;
	_ =	sdelay $0x1  }
0x4b: {  	v3 =	vadd.f32 v3, v1;
	_ =	sdelay $0x1  }
0x4c: {  	[tilespmem:s15+$0xFFFFF400] =	vst v3  }
0x4d: {  	v3 =	vld.idx.msk [tilespmem:v4+s12+$0x0], $0xffff;
	_ =	sdelay $0x2  }
0x4e: {  	v4 =	vor.u32 $0x3, v2;
	_ =	sdelay $0x1  }
0x4f: {  	v3 =	vadd.f32 v3, v1;
	_ =	sdelay $0x1  }
0x50: {  	[tilespmem:s15+$0xFFFFF800] =	vst v3  }
0x51: {  	v3 =	vld.idx.msk [tilespmem:v4+s12+$0x0], $0xffff  }
0x52: {  	v4 =	vor.u32 $0x4, v2;
	_ =	sdelay $0x3  }
0x53: {  	[tilespmem:s15+$0xFFFFFC00] =	vst v3  }
0x54: {  	v3 =	vld.idx.msk [tilespmem:v4+s12+$0x0], $0xffff  }
0x55: {  	v4 =	vor.u32 $0x5, v2;
	_ =	sdelay $0x3  }
0x56: {  	[tilespmem:s15+$0x0] =	vst v3  }
0x57: {  	v3 =	vld.idx.msk [tilespmem:v4+s12+$0x0], $0xffff  }
0x58: {  	v4 =	vor.u32 $0x6, v2;
	_ =	sdelay $0x3  }
0x59: {  	[tilespmem:s15+$0x400] =	vst v3  }
0x5a: {  	v3 =	vld.idx.msk [tilespmem:v4+s12+$0x0], $0xffff  }
0x5b: {  	v4 =	vor.u32 $0x7, v2;
	_ =	sdelay $0x3  }
0x5c: {  	[tilespmem:s15+$0x800] =	vst v3  }
0x5d: {  	v3 =	vld.idx.msk [tilespmem:v4+s12+$0x0], $0xffff  }
0x5e: {  	v2 =	vor.u32 $0x8, v2;
	_ =	sdelay $0x3  }
0x5f: {  	s16 =	simm.s32 $0x10;
	[tilespmem:s15+$0xC00] =	vst v3  }
0x60: {  	s14 =	sshrl.u32 s13, $0x2;
	v3 =	vmov s16;
	s16 =	simm.s32 $0x20;
	v2 =	vld.idx.msk [tilespmem:v2+s12+$0x0], $0xffff  }
.LBB2_3:
0x61: {  	p0 =	sne.s32 s16, $0x3F0;
	v3 =	vshll.u32 v3, $0x4  }
0x62: {  	v3 =	vor.u32 v0, v3;
	_ =	sdelay $0x3  }
0x63: {  	[tilespmem:s15+$0x1000] =	vst v2  }
0x64: {  	v2 =	vld.idx.msk [tilespmem:v3+s12+$0x0], $0xffff;
	_ =	sdelay $0x3  }
0x65: {  	v4 =	vor.u32 $0x1, v3;
	_ =	sdelay $0x1  }
0x66: {  	v2 =	vadd.f32 v2, v1  }
0x67: {  	s15 =	sadd.s32 $0x10, s15  }
0x68: {  	[tilespmem:s15+$0xFFFFF000] =	vst v2  }
0x69: {  	v2 =	vld.idx.msk [tilespmem:v4+s12+$0x0], $0xffff;
	_ =	sdelay $0x3  }
0x6a: {  	v4 =	vor.u32 $0x2, v3;
	_ =	sdelay $0x1  }
0x6b: {  	v2 =	vadd.f32 v2, v1;
	_ =	sdelay $0x1  }
0x6c: {  	[tilespmem:s15+$0xFFFFF400] =	vst v2  }
0x6d: {  	v2 =	vld.idx.msk [tilespmem:v4+s12+$0x0], $0xffff;
	_ =	sdelay $0x3  }
0x6e: {  	v4 =	vor.u32 $0x3, v3;
	_ =	sdelay $0x1  }
0x6f: {  	v2 =	vadd.f32 v2, v1;
	_ =	sdelay $0x1  }
0x70: {  	[tilespmem:s15+$0xFFFFF800] =	vst v2  }
0x71: {  	v2 =	vld.idx.msk [tilespmem:v4+s12+$0x0], $0xffff;
	_ =	sdelay $0x1  }
0x72: {  	v4 =	vor.u32 $0x4, v3;
	_ =	sdelay $0x3  }
0x73: {  	[tilespmem:s15+$0xFFFFFC00] =	vst v2  }
0x74: {  	v2 =	vld.idx.msk [tilespmem:v4+s12+$0x0], $0xffff;
	_ =	sdelay $0x1  }
0x75: {  	v4 =	vor.u32 $0x5, v3;
	_ =	sdelay $0x3  }
0x76: {  	[tilespmem:s15+$0x0] =	vst v2  }
0x77: {  	v2 =	vld.idx.msk [tilespmem:v4+s12+$0x0], $0xffff;
	_ =	sdelay $0x1  }
0x78: {  	v4 =	vor.u32 $0x6, v3;
	_ =	sdelay $0x3  }
0x79: {  	[tilespmem:s15+$0x400] =	vst v2  }
0x7a: {  	v2 =	vld.idx.msk [tilespmem:v4+s12+$0x0], $0xffff;
	_ =	sdelay $0x1  }
0x7b: {  	v4 =	vor.u32 $0x7, v3;
	_ =	sdelay $0x3  }
0x7c: {  	[tilespmem:s15+$0x800] =	vst v2  }
0x7d: {  	v2 =	vld.idx.msk [tilespmem:v4+s12+$0x0], $0xffff;
	_ =	sdelay $0x1  }
0x7e: {  	v4 =	vor.u32 $0x8, v3  }
.Ltmp0:
0x7f: {  	(pc) =	sbr.rel @p0 .LBB2_3-.Ltmp0, $3  }
0x80: {  	_ =	sdelay $0x1  }
0x81: {  	[tilespmem:s15+$0xC00] =	vst v2  }
0x82: {  	v3 =	vmov s16;
	s16 =	sadd.s32 $0x10, s16;
	v2 =	vld.idx.msk [tilespmem:v4+s12+$0x0], $0xffff  }
0x83: {  	v3 =	vshll.u32 v3, $0x4  }
0x84: {  	v3 =	vor.u32 v0, v3;
	_ =	sdelay $0x3  }
0x85: {  	[tilespmem:s15+$0x1000] =	vst v2  }
0x86: {  	v2 =	vld.idx.msk [tilespmem:v3+s12+$0x0], $0xffff;
	_ =	sdelay $0x2  }
0x87: {  	v4 =	vor.u32 $0x1, v3;
	_ =	sdelay $0x1  }
0x88: {  	v2 =	vadd.f32 v2, v1  }
0x89: {  	s16 =	sadd.s32 $0x10, s15  }
0x8a: {  	[tilespmem:s16+$0xFFFFF000] =	vst v2  }
0x8b: {  	v2 =	vld.idx.msk [tilespmem:v4+s12+$0x0], $0xffff;
	_ =	sdelay $0x2  }
0x8c: {  	v62 =	vor.u32 $0x2, v3;
	_ =	sdelay $0x1  }
0x8d: {  	v2 =	vadd.f32 v2, v1;
	_ =	sdelay $0x1  }
0x8e: {  	[tilespmem:s16+$0xFFFFF400] =	vst v2  }
0x8f: {  	v2 =	vld.idx.msk [tilespmem:v62+s12+$0x0], $0xffff;
	_ =	sdelay $0x2  }
0x90: {  	v63 =	vor.u32 $0x3, v3;
	_ =	sdelay $0x1  }
0x91: {  	v1 =	vadd.f32 v2, v1;
	_ =	sdelay $0x1  }
0x92: {  	[tilespmem:s16+$0xFFFFF800] =	vst v1  }
0x93: {  	v1 =	vld.idx.msk [tilespmem:v63+s12+$0x0], $0xffff  }
0x94: {  	v2 =	vor.u32 $0x4, v3;
	_ =	sdelay $0x3  }
0x95: {  	[tilespmem:s16+$0xFFFFFC00] =	vst v1  }
0x96: {  	v1 =	vld.idx.msk [tilespmem:v2+s12+$0x0], $0xffff  }
0x97: {  	v2 =	vor.u32 $0x5, v3;
	_ =	sdelay $0x3  }
0x98: {  	[tilespmem:s16+$0x0] =	vst v1  }
0x99: {  	v1 =	vld.idx.msk [tilespmem:v2+s12+$0x0], $0xffff  }
0x9a: {  	v2 =	vor.u32 $0x6, v3;
	_ =	sdelay $0x3  }
0x9b: {  	[tilespmem:s16+$0x400] =	vst v1  }
0x9c: {  	v1 =	vld.idx.msk [tilespmem:v2+s12+$0x0], $0xffff  }
0x9d: {  	v2 =	vor.u32 $0x7, v3;
	_ =	sdelay $0x3  }
0x9e: {  	[tilespmem:s16+$0x800] =	vst v1  }
0x9f: {  	v1 =	vld.idx.msk [tilespmem:v2+s12+$0x0], $0xffff  }
0xa0: {  	v2 =	vor.u32 $0x8, v3;
	_ =	sdelay $0x3  }
0xa1: {  	[tilespmem:s16+$0xC00] =	vst v1  }
0xa2: {  	v1 =	vld.idx.msk [tilespmem:v2+s12+$0x0], $0xffff  }
0xa3: {  	s13 =	sshll.u32 s13, $0xA  }
0xa4: {  	s14 =	sshll.u32 s14, $0xC;
	s13 =	sand.u32 $0xC00, s13  }
0xa5: {  	s13 =	sor.u32 s13, s14  }
0xa6: {  	s13 =	sshrl.u32 s13, $0x3  }
0xa7: {  	s13 =	sadd.s32 s6, s13;
	[tilespmem:s16+$0x1000] =	vst v1  }
0xa8: {  	[hbm4b:s13+s3] =	stream.linear.scatter [tilespmem:s28], [sflag:$0x1], $0x400, $0x38;
	[tilespmem:$0x7480] =	vst v63  }
0xa9: {  	s16 =	sadd.s32 $0x19000, s13  }
0xaa: {  	[hbm4b:s16+s3] =	stream.linear.scatter [tilespmem:s29], [sflag:$0x1], $0x400, $0x38;
	[tilespmem:$0x7480] =	vst v63  }
0xab: {  	s15 =	sadd.s32 $0x32000, s13  }
0xac: {  	[hbm4b:s15+s3] =	stream.linear.scatter [tilespmem:s30], [sflag:$0x1], $0x400, $0x38;
	[tilespmem:$0x7480] =	vst v63  }
0xad: {  	s16 =	sadd.s32 $0x4B000, s13  }
0xae: {  	[hbm4b:s16+s3] =	stream.linear.scatter [tilespmem:s31], [sflag:$0x1], $0x400, $0x38;
	[tilespmem:$0x7480] =	vst v63  }
0xaf: {  	s15 =	sadd.s32 $0x64000, s13  }
0xb0: {  	[hbm4b:s15+s3] =	stream.linear.scatter [tilespmem:s0], [sflag:$0x1], $0x400, $0x38;
	[tilespmem:$0x7480] =	vst v63  }
0xb1: {  	s16 =	sadd.s32 $0x7D000, s13  }
0xb2: {  	[hbm4b:s16+s3] =	stream.linear.scatter [tilespmem:s4], [sflag:$0x1], $0x400, $0x38;
	[tilespmem:$0x7480] =	vst v63  }
0xb3: {  	s15 =	sadd.s32 $0x96000, s13  }
0xb4: {  	[hbm4b:s15+s3] =	stream.linear.scatter [tilespmem:s2], [sflag:$0x1], $0x400, $0x38;
	[tilespmem:$0x7480] =	vst v63  }
0xb5: {  	s16 =	sadd.s32 $0xAF000, s13  }
0xb6: {  	[hbm4b:s16+s3] =	stream.linear.scatter [tilespmem:s9], [sflag:$0x1], $0x400, $0x38;
	[tilespmem:$0x7480] =	vst v63  }
0xb7: {  	s13 =	sadd.s32 $0xC8000, s13  }
0xb8: {  	[hbm4b:s13+s3] =	stream.linear.scatter [tilespmem:s8], [sflag:$0x1], $0x400, $0x38;
	[tilespmem:$0x7480] =	vst v63  }
0xb9: {  	_ =	swait.ge [sflag:s26], $0x400  }
0xba: {  	[sflag:s26] =	ssyncset.done $0x0  }
0xbb: {  	[sflag:s26] =	ssyncadd.s32 $0xFFFFFC00  }
0xbc: {  	_ =	swait.ge [sflag:s26], $0x400  }
0xbd: {  	[sflag:s26] =	ssyncset.done $0x0  }
0xbe: {  	[sflag:s26] =	ssyncadd.s32 $0xFFFFFC00  }
0xbf: {  	_ =	swait.ge [sflag:s26], $0x400  }
0xc0: {  	[sflag:s26] =	ssyncset.done $0x0  }
0xc1: {  	[sflag:s26] =	ssyncadd.s32 $0xFFFFFC00  }
0xc2: {  	_ =	swait.ge [sflag:s26], $0x400  }
0xc3: {  	[sflag:s26] =	ssyncset.done $0x0  }
0xc4: {  	[sflag:s26] =	ssyncadd.s32 $0xFFFFFC00  }
0xc5: {  	_ =	swait.ge [sflag:s26], $0x400  }
0xc6: {  	[sflag:s26] =	ssyncset.done $0x0  }
0xc7: {  	[sflag:s26] =	ssyncadd.s32 $0xFFFFFC00  }
0xc8: {  	_ =	swait.ge [sflag:s26], $0x400  }
0xc9: {  	[sflag:s26] =	ssyncset.done $0x0  }
0xca: {  	[sflag:s26] =	ssyncadd.s32 $0xFFFFFC00  }
0xcb: {  	_ =	swait.ge [sflag:s26], $0x400  }
0xcc: {  	[sflag:s26] =	ssyncset.done $0x0  }
0xcd: {  	s1 =	sadd.s32 $0x1, s1;
	[sflag:s26] =	ssyncadd.s32 $0xFFFFFC00  }
0xce: {  	p0 =	sne.s32 s1, $0x19;
	_ =	swait.ge [sflag:s26], $0x400  }
.Ltmp1:
0xcf: {  	[sflag:s26] =	ssyncset.done $0x0;
	(pc) =	sbr.rel @p0 .LBB2_2-.Ltmp1, $4  }
0xd0: {  	[sflag:s26] =	ssyncadd.s32 $0xFFFFFC00  }
0xd1: {  	_ =	swait.ge [sflag:s26], $0x400  }
0xd2: {  	[sflag:s26] =	ssyncset.done $0x0  }
0xd3: {  	[sflag:s26] =	ssyncadd.s32 $0xFFFFFC00  }
0xd4: {  	s13 =	rddreg [dreg:$0x5]  }
0xd5: {  	s1 =	rddreg [dreg:$0x4];
	s13 =	sadd.s32 $0x1, s13  }
0xd6: {  	p0 =	sne.s32 s13, s1  }
.Ltmp2:
0xd7: {  	_ = 	snop;
	(pc) =	sbr.rel @p0 .LBB2_1-.Ltmp2, $1  }
0xd8: {  	_ =	sdelay $0x3  }
0xd9: {  	_ =	sfence.sel $0x180000  }
0xda: {  	[bflag:$0x0] =	sbarrier.arrive $0xFFFF  }
0xdb: {  	_ =	strace $0x90000047  }
0xdc: {  	s0 =	stileid.u32;
	[bflag:$0x2] =	sbarrier.arrive $0xFFFF  }
0xdd: {  	p0 =	sne.s32 s0, $0x0;
	s0 =	rddreg [dreg:$0x3]  }
0xde: {  	s0 =	sadd.s32 @!p0 $0x100000, s0  }
0xdf: {  	[sflag:s0] =	ssyncadd.tile.s32 @!p0 $0x1;
	_ =	shalt  }
.Lfunc_end2:
_tile_overlayer_lowered:
.L_overlay_start_2:
0xe0: {  	(tag) =	ssettag $0x2  }
0xe1: {  	s0 =	rddreg [dreg:$0x0];
	s2 =	stileid.u32  }
0xe2: {  	s1 =	rddreg [dreg:$0x1];
	p0 =	sne.s32 s2, $0x0  }
0xe3: {  	s3 =	rddreg [dreg:$0x2];
	[bflag:$0x3] =	sbarrier.arrive $0xFFFF;
	s2 =	simm.s32 @!p0 $0x1C02  }
0xe4: {  	[timem:s3], [sflag:s2] =	dma.local @!p0 [hbm:s0], s1  }
0xe5: {  	s0 =	simm.s32 @!p0 $0x2  }
0xe6: {  	_ =	swait.ge @!p0 [sflag:s0], s1  }
0xe7: {  	s1 =	ssub.s32 @!p0 $0x0, s1;
	[sflag:s0] =	ssyncset.done @!p0 $0x0  }
0xe8: {  	[sflag:s0] =	ssyncadd.s32 @!p0 s1  }
0xe9: {  	[bflag:$0x3] =	sbarrier.arrive $0xFFFF  }
0xea: {  	_ =	shalt  }

</sc_bundles>
